<compile_context>
chip_gen: v7x
topology: tpu7x:2x2x1
jax: 0.10.2.dev20260603
libtpu: 0.0.44.dev20260713+nightly
codegen_flags: <defaults>
</compile_context>

<pallas_src>
import functools

import jax
import jax.numpy as jnp
from jax import lax
from jax.experimental import pallas as pl
from jax.experimental.pallas import tpu as pltpu
from jax.experimental.pallas import tpu_sc as plsc

D_MODEL = 64
SCALE = 0.125
NBUF = 4
C = 128
R1 = 160


@jax.jit
def _embed(x, table):
    idx = x.reshape(-1)
    B = idx.shape[0]
    V = table.shape[0]

    info = plsc.get_sparse_core_info()
    NC, NS = info.num_cores, info.num_subcores
    NW = NC * NS
    b_per_w = B // NW
    assert b_per_w * NW == B
    n_chunks = b_per_w // C
    assert n_chunks * C == b_per_w
    assert n_chunks >= 6 and (n_chunks - 4) % NBUF == 0
    n_outer = (n_chunks - 4) // NBUF

    k1_chunks = V // R1
    assert k1_chunks * R1 == V
    k1_iters = (k1_chunks + NW - 1) // NW

    mesh = plsc.VectorSubcoreMesh(core_axis_name="c", subcore_axis_name="s")

    @functools.partial(
        pl.kernel,
        mesh=mesh,
        compiler_params=pltpu.CompilerParams(use_tc_tiling_on_sc=True),
        out_type=jax.ShapeDtypeStruct((V, 2 * D_MODEL), jnp.float32),
        scratch_types=(
            [pltpu.VMEM((R1, D_MODEL), jnp.float32) for _ in range(2)]
            + [pltpu.VMEM((R1, 2 * D_MODEL), jnp.float32) for _ in range(2)]
            + [pltpu.SemaphoreType.DMA for _ in range(4)]
        ),
    )
    def k1(table_hbm, dup_hbm, vin0, vin1, vout0, vout1, gs0, gs1, ws0, ws1):
        vin = (vin0, vin1)
        vout = (vout0, vout1)
        gsem = (gs0, gs1)
        wsem = (ws0, ws1)
        wid = lax.axis_index("s") * NC + lax.axis_index("c")

        def rd_desc(g, b):
            return pltpu.make_async_copy(
                table_hbm.at[pl.ds(g * R1, R1)], vin[b], gsem[b])

        def wr_desc(g, b):
            return pltpu.make_async_copy(
                vout[b], dup_hbm.at[pl.ds(g * R1, R1)], wsem[b])

        def scale_dup(b):
            def sbody(i, c):
                for j in range(D_MODEL // 16):
                    v = vin[b][i, pl.ds(j * 16, 16)] * SCALE
                    vout[b][i, pl.ds(j * 16, 16)] = v
                    vout[b][i, pl.ds(D_MODEL + j * 16, 16)] = v
                return c

            lax.fori_loop(0, R1, sbody, 0)

        def chunk_of(j):
            return j * NW + wid

        def body(j, c):
            @pl.when(chunk_of(j) < k1_chunks)
            def _():
                rd_desc(chunk_of(j), 0).start()
                rd_desc(chunk_of(j), 0).wait()
                scale_dup(0)
                wr_desc(chunk_of(j), 0).start()
                wr_desc(chunk_of(j), 0).wait()

            return c

        lax.fori_loop(0, k1_iters, body, 0)

    @functools.partial(
        pl.kernel,
        mesh=mesh,
        compiler_params=pltpu.CompilerParams(use_tc_tiling_on_sc=True),
        out_type=jax.ShapeDtypeStruct((B, 2 * D_MODEL), jnp.float32),
        scratch_types=(
            [pltpu.VMEM((b_per_w,), jnp.int32)]
            + [pltpu.VMEM((C, 2 * D_MODEL), jnp.float32) for _ in range(NBUF)]
            + [pltpu.SemaphoreType.DMA for _ in range(2 * NBUF)]
        ),
    )
    def k2(dup_hbm, idx_hbm, out_hbm, idx_all, *bufs):
        rows = bufs[:NBUF]
        gsem = bufs[NBUF:2 * NBUF]
        wsem = bufs[2 * NBUF:]
        wid = lax.axis_index("s") * NC + lax.axis_index("c")
        base = wid * b_per_w

        def gather_desc(g, b):
            isl = idx_all.at[pl.ds(g * C, C)]
            return pltpu.make_async_copy(dup_hbm.at[isl], rows[b], gsem[b])

        def wb_desc(g, b):
            return pltpu.make_async_copy(
                rows[b], out_hbm.at[pl.ds(base + g * C, C)], wsem[b])

        pltpu.sync_copy(idx_hbm.at[pl.ds(base, b_per_w)], idx_all)

        gather_desc(0, 0).start()
        gather_desc(1, 1).start()

        for g in (0, 1):
            b = g % NBUF
            gather_desc(g, b).wait()
            wb_desc(g, b).start()
            gather_desc(g + 2, (g + 2) % NBUF).start()

        def outer(go, c):
            for k in range(NBUF):
                g = 2 + go * NBUF + k
                b = (2 + k) % NBUF
                b2 = k
                gather_desc(g, b).wait()
                wb_desc(g, b).start()
                wb_desc(g - 2, b2).wait()
                gather_desc(g + 2, b2).start()
            return c

        lax.fori_loop(0, n_outer, outer, 0)

        for g in (n_chunks - 2, n_chunks - 1):
            b = g % NBUF
            gather_desc(g, b).wait()
            wb_desc(g, b).start()

        for g in range(n_chunks - NBUF, n_chunks):
            wb_desc(g, g % NBUF).wait()

    dup = k1(table)
    out = k2(dup, idx)
    return out[:, :D_MODEL].reshape(x.shape + (D_MODEL,))


def kernel(x, table):
    return _embed(x, table)

# --- scband reference (transcript-rebuilt; emitter-appended) ---
"""Pipeline reference for scband-token-embedding-80436147519873 (READ-ONLY COPY).

The authoritative reference and input builder live on the scoring server;
editing this copy changes nothing except your own understanding.
"""

import jax, jax.numpy as jnp
import numpy as np

VOCAB_SIZE = 1000000
D_MODEL = 64

def setup_inputs(seed: int = 0) -> dict:
    key = jax.random.key(seed)
    k1, k2 = jax.random.split(key)
    x = jax.random.randint(k1, (4096, 200), 0, VOCAB_SIZE, dtype=jnp.int64) if jax.config.jax_enable_x64 else jax.random.randint(k1, (4096, 200), 0, VOCAB_SIZE, dtype=jnp.int32)
    # GlorotNormal for embedding table: stddev = sqrt(2 / (fan_in + fan_out))
    stddev = np.sqrt(2.0 / (VOCAB_SIZE + D_MODEL))
    table = jax.random.normal(k2, (VOCAB_SIZE, D_MODEL), dtype=jnp.float32) * stddev
    return {"x": x, "table": table}

def reference(x, table):
    # TokenEmbedding.call: embedding lookup then divide by sqrt(d_model)
    scale = jnp.sqrt(jnp.asarray(D_MODEL, dtype=jnp.float32))
    emb = jnp.take(table, x, axis=0)
    return emb / scale

if __name__ == "__main__":
    import jax
    _d = setup_inputs()
    print(jax.jit(kernel)(*tuple(_d.values())))

</pallas_src>

<mosaic_0001>
#map = affine_map<(d0, d1) -> (0, 0)>
module attributes {stable_mosaic.version = 14 : i64} {
  func.func @k1(%arg0: i32, %arg1: i32, %arg2: memref<1000000x64xf32, #tpu.memory_space<hbm>>, %arg3: memref<1000000x128xf32, #tpu.memory_space<hbm>>, %arg4: memref<160x64xf32, #tpu.memory_space<vmem>>, %arg5: memref<160x64xf32, #tpu.memory_space<vmem>>, %arg6: memref<160x128xf32, #tpu.memory_space<vmem>>, %arg7: memref<160x128xf32, #tpu.memory_space<vmem>>, %arg8: memref<!tpu.dma_semaphore, #tpu.memory_space<semaphore_mem>>, %arg9: memref<!tpu.dma_semaphore, #tpu.memory_space<semaphore_mem>>, %arg10: memref<!tpu.dma_semaphore, #tpu.memory_space<semaphore_mem>>, %arg11: memref<!tpu.dma_semaphore, #tpu.memory_space<semaphore_mem>>) attributes {dimension_semantics = [#tpu.dimension_semantics<core_parallel>, #tpu.dimension_semantics<subcore_parallel>], iteration_bounds = array<i64: 2, 16>, scalar_prefetch = 0 : i64, scratch_operands = 8 : i64, tpu.core_type = #tpu.core_type<sc_vector_subcore>, window_params = [{transform_indices = #map}, {transform_indices = #map}]} {
    %mul3A = arith.constant 2 : i32
    %mul3A_0 = arith.muli %arg1, %mul3A : i32
    %add3A = arith.addi %mul3A_0, %arg0 : i32
    %scan3A = arith.constant 0 : i32
    %scan3A_1 = arith.constant 0 : i32
    %scan3A_2 = arith.constant 196 : i32
    %scan3A_3 = arith.addi %scan3A_1, %scan3A_2 : i32
    %scan3A_4 = arith.constant 1 : i32
    scf.for %scan3A_6 = %scan3A_1 to %scan3A_3 step %scan3A_4  : i32 {
      %mul3A_7 = arith.constant 32 : i32
      %mul3A_8 = arith.muli %scan3A_6, %mul3A_7 : i32
      %add3A_9 = arith.addi %mul3A_8, %add3A : i32
      %lt3A = arith.constant 6250 : i32
      %lt3A_10 = arith.cmpi slt, %add3A_9, %lt3A : i32
      %convert_element_type3A = arith.extui %lt3A_10 : i1 to i32
      %cond3A = arith.constant 0 : i32
      %cond3A_11 = arith.cmpi ne, %convert_element_type3A, %cond3A : i32
      scf.if %cond3A_11 {
        %mul3A_12 = arith.constant 32 : i32
        %mul3A_13 = arith.muli %scan3A_6, %mul3A_12 : i32
        %add3A_14 = arith.addi %mul3A_13, %add3A : i32
        %mul3A_15 = arith.constant 160 : i32
        %mul3A_16 = arith.muli %add3A_14, %mul3A_15 : i32
        %dma_start3A = arith.constant 0 : i32
        %dma_start3A_17 = tpu.memref_slice %arg2[%mul3A_16, %dma_start3A] : memref<1000000x64xf32, #tpu.memory_space<hbm>> -> memref<160x64xf32, #tpu.memory_space<hbm>>
        %dma_start3A_18 = arith.constant 0 : i32
        %dma_start3A_19 = tpu.memref_slice %arg2[%mul3A_16, %dma_start3A_18] : memref<1000000x64xf32, #tpu.memory_space<hbm>> -> memref<160x64xf32, #tpu.memory_space<hbm>>
        tpu.enqueue_dma source(%dma_start3A_19 : memref<160x64xf32, #tpu.memory_space<hbm>>) target(%arg4 : memref<160x64xf32, #tpu.memory_space<vmem>>) target_semaphore(%arg8 : memref<!tpu.dma_semaphore, #tpu.memory_space<semaphore_mem>>)
        %mul3A_20 = arith.constant 32 : i32
        %mul3A_21 = arith.muli %scan3A_6, %mul3A_20 : i32
        %add3A_22 = arith.addi %mul3A_21, %add3A : i32
        %mul3A_23 = arith.constant 160 : i32
        %mul3A_24 = arith.muli %add3A_22, %mul3A_23 : i32
        %dma_wait3A = arith.constant 0 : i32
        %dma_wait3A_25 = tpu.memref_slice %arg2[%mul3A_24, %dma_wait3A] : memref<1000000x64xf32, #tpu.memory_space<hbm>> -> memref<160x64xf32, #tpu.memory_space<hbm>>
        %dma_wait3A_26 = arith.constant 0 : i32
        %dma_wait3A_27 = tpu.memref_slice %arg2[%mul3A_24, %dma_wait3A_26] : memref<1000000x64xf32, #tpu.memory_space<hbm>> -> memref<160x64xf32, #tpu.memory_space<hbm>>
        tpu.wait_dma2 semaphore(%arg8 : memref<!tpu.dma_semaphore, #tpu.memory_space<semaphore_mem>>) src(%dma_wait3A_27 : memref<160x64xf32, #tpu.memory_space<hbm>>) dst(%arg4 : memref<160x64xf32, #tpu.memory_space<vmem>>)
        %scan3A_28 = arith.constant 0 : i32
        %scan3A_29 = arith.constant 0 : i32
        %scan3A_30 = arith.constant 160 : i32
        %scan3A_31 = arith.addi %scan3A_29, %scan3A_30 : i32
        %scan3A_32 = arith.constant 1 : i32
        scf.for %scan3A_52 = %scan3A_29 to %scan3A_31 step %scan3A_32  : i32 {
          %get3A = arith.index_cast %scan3A_52 : i32 to index
          %get3A_53 = arith.constant 0 : index
          %get3A_54 = tpu.vector_load %arg4[%get3A, %get3A_53] {strides = array<i32>} : memref<160x64xf32, #tpu.memory_space<vmem>>, vector<1x16xf32>,
          %get3A_55 = vector.shape_cast %get3A_54 : vector<1x16xf32> to vector<16xf32>
          %mul3A_56 = arith.constant 1.250000e-01 : f32
          %mul3A_57 = vector.broadcast %mul3A_56 : f32 to vector<16xf32>
          %mul3A_58 = arith.mulf %get3A_55, %mul3A_57 : vector<16xf32>
          %swap3A = arith.index_cast %scan3A_52 : i32 to index
          %swap3A_59 = arith.constant 0 : index
          %swap3A_60 = tpu.vector_load %arg6[%swap3A, %swap3A_59] {strides = array<i32>} : memref<160x128xf32, #tpu.memory_space<vmem>>, vector<1x16xf32>,
          %swap3A_61 = vector.shape_cast %swap3A_60 : vector<1x16xf32> to vector<16xf32>
          %swap3A_62 = vector.shape_cast %mul3A_58 : vector<16xf32> to vector<1x16xf32>
          tpu.vector_store %arg6[%swap3A, %swap3A_59], %swap3A_62 {strides = array<i32>} : memref<160x128xf32, #tpu.memory_space<vmem>>, vector<1x16xf32>,
          %swap3A_63 = arith.index_cast %scan3A_52 : i32 to index
          %swap3A_64 = arith.constant 64 : index
          %swap3A_65 = tpu.vector_load %arg6[%swap3A_63, %swap3A_64] {strides = array<i32>} : memref<160x128xf32, #tpu.memory_space<vmem>>, vector<1x16xf32>,
          %swap3A_66 = vector.shape_cast %swap3A_65 : vector<1x16xf32> to vector<16xf32>
          %swap3A_67 = vector.shape_cast %mul3A_58 : vector<16xf32> to vector<1x16xf32>
          tpu.vector_store %arg6[%swap3A_63, %swap3A_64], %swap3A_67 {strides = array<i32>} : memref<160x128xf32, #tpu.memory_space<vmem>>, vector<1x16xf32>,
          %get3A_68 = arith.index_cast %scan3A_52 : i32 to index
          %get3A_69 = arith.constant 16 : index
          %get3A_70 = tpu.vector_load %arg4[%get3A_68, %get3A_69] {strides = array<i32>} : memref<160x64xf32, #tpu.memory_space<vmem>>, vector<1x16xf32>,
          %get3A_71 = vector.shape_cast %get3A_70 : vector<1x16xf32> to vector<16xf32>
          %mul3A_72 = arith.constant 1.250000e-01 : f32
          %mul3A_73 = vector.broadcast %mul3A_72 : f32 to vector<16xf32>
          %mul3A_74 = arith.mulf %get3A_71, %mul3A_73 : vector<16xf32>
          %swap3A_75 = arith.index_cast %scan3A_52 : i32 to index
          %swap3A_76 = arith.constant 16 : index
          %swap3A_77 = tpu.vector_load %arg6[%swap3A_75, %swap3A_76] {strides = array<i32>} : memref<160x128xf32, #tpu.memory_space<vmem>>, vector<1x16xf32>,
          %swap3A_78 = vector.shape_cast %swap3A_77 : vector<1x16xf32> to vector<16xf32>
          %swap3A_79 = vector.shape_cast %mul3A_74 : vector<16xf32> to vector<1x16xf32>
          tpu.vector_store %arg6[%swap3A_75, %swap3A_76], %swap3A_79 {strides = array<i32>} : memref<160x128xf32, #tpu.memory_space<vmem>>, vector<1x16xf32>,
          %swap3A_80 = arith.index_cast %scan3A_52 : i32 to index
          %swap3A_81 = arith.constant 80 : index
          %swap3A_82 = tpu.vector_load %arg6[%swap3A_80, %swap3A_81] {strides = array<i32>} : memref<160x128xf32, #tpu.memory_space<vmem>>, vector<1x16xf32>,
          %swap3A_83 = vector.shape_cast %swap3A_82 : vector<1x16xf32> to vector<16xf32>
          %swap3A_84 = vector.shape_cast %mul3A_74 : vector<16xf32> to vector<1x16xf32>
          tpu.vector_store %arg6[%swap3A_80, %swap3A_81], %swap3A_84 {strides = array<i32>} : memref<160x128xf32, #tpu.memory_space<vmem>>, vector<1x16xf32>,
          %get3A_85 = arith.index_cast %scan3A_52 : i32 to index
          %get3A_86 = arith.constant 32 : index
          %get3A_87 = tpu.vector_load %arg4[%get3A_85, %get3A_86] {strides = array<i32>} : memref<160x64xf32, #tpu.memory_space<vmem>>, vector<1x16xf32>,
          %get3A_88 = vector.shape_cast %get3A_87 : vector<1x16xf32> to vector<16xf32>
          %mul3A_89 = arith.constant 1.250000e-01 : f32
          %mul3A_90 = vector.broadcast %mul3A_89 : f32 to vector<16xf32>
          %mul3A_91 = arith.mulf %get3A_88, %mul3A_90 : vector<16xf32>
          %swap3A_92 = arith.index_cast %scan3A_52 : i32 to index
          %swap3A_93 = arith.constant 32 : index
          %swap3A_94 = tpu.vector_load %arg6[%swap3A_92, %swap3A_93] {strides = array<i32>} : memref<160x128xf32, #tpu.memory_space<vmem>>, vector<1x16xf32>,
          %swap3A_95 = vector.shape_cast %swap3A_94 : vector<1x16xf32> to vector<16xf32>
          %swap3A_96 = vector.shape_cast %mul3A_91 : vector<16xf32> to vector<1x16xf32>
          tpu.vector_store %arg6[%swap3A_92, %swap3A_93], %swap3A_96 {strides = array<i32>} : memref<160x128xf32, #tpu.memory_space<vmem>>, vector<1x16xf32>,
          %swap3A_97 = arith.index_cast %scan3A_52 : i32 to index
          %swap3A_98 = arith.constant 96 : index
          %swap3A_99 = tpu.vector_load %arg6[%swap3A_97, %swap3A_98] {strides = array<i32>} : memref<160x128xf32, #tpu.memory_space<vmem>>, vector<1x16xf32>,
          %swap3A_100 = vector.shape_cast %swap3A_99 : vector<1x16xf32> to vector<16xf32>
          %swap3A_101 = vector.shape_cast %mul3A_91 : vector<16xf32> to vector<1x16xf32>
          tpu.vector_store %arg6[%swap3A_97, %swap3A_98], %swap3A_101 {strides = array<i32>} : memref<160x128xf32, #tpu.memory_space<vmem>>, vector<1x16xf32>,
          %get3A_102 = arith.index_cast %scan3A_52 : i32 to index
          %get3A_103 = arith.constant 48 : index
          %get3A_104 = tpu.vector_load %arg4[%get3A_102, %get3A_103] {strides = array<i32>} : memref<160x64xf32, #tpu.memory_space<vmem>>, vector<1x16xf32>,
          %get3A_105 = vector.shape_cast %get3A_104 : vector<1x16xf32> to vector<16xf32>
          %mul3A_106 = arith.constant 1.250000e-01 : f32
          %mul3A_107 = vector.broadcast %mul3A_106 : f32 to vector<16xf32>
          %mul3A_108 = arith.mulf %get3A_105, %mul3A_107 : vector<16xf32>
          %swap3A_109 = arith.index_cast %scan3A_52 : i32 to index
          %swap3A_110 = arith.constant 48 : index
          %swap3A_111 = tpu.vector_load %arg6[%swap3A_109, %swap3A_110] {strides = array<i32>} : memref<160x128xf32, #tpu.memory_space<vmem>>, vector<1x16xf32>,
          %swap3A_112 = vector.shape_cast %swap3A_111 : vector<1x16xf32> to vector<16xf32>
          %swap3A_113 = vector.shape_cast %mul3A_108 : vector<16xf32> to vector<1x16xf32>
          tpu.vector_store %arg6[%swap3A_109, %swap3A_110], %swap3A_113 {strides = array<i32>} : memref<160x128xf32, #tpu.memory_space<vmem>>, vector<1x16xf32>,
          %swap3A_114 = arith.index_cast %scan3A_52 : i32 to index
          %swap3A_115 = arith.constant 112 : index
          %swap3A_116 = tpu.vector_load %arg6[%swap3A_114, %swap3A_115] {strides = array<i32>} : memref<160x128xf32, #tpu.memory_space<vmem>>, vector<1x16xf32>,
          %swap3A_117 = vector.shape_cast %swap3A_116 : vector<1x16xf32> to vector<16xf32>
          %swap3A_118 = vector.shape_cast %mul3A_108 : vector<16xf32> to vector<1x16xf32>
          tpu.vector_store %arg6[%swap3A_114, %swap3A_115], %swap3A_118 {strides = array<i32>} : memref<160x128xf32, #tpu.memory_space<vmem>>, vector<1x16xf32>,
        }
        %scan3A_33 = arith.constant 160 : i32
        %mul3A_34 = arith.constant 32 : i32
        %mul3A_35 = arith.muli %scan3A_6, %mul3A_34 : i32
        %add3A_36 = arith.addi %mul3A_35, %add3A : i32
        %mul3A_37 = arith.constant 160 : i32
        %mul3A_38 = arith.muli %add3A_36, %mul3A_37 : i32
        %dma_start3A_39 = arith.constant 0 : i32
        %dma_start3A_40 = tpu.memref_slice %arg3[%mul3A_38, %dma_start3A_39] : memref<1000000x128xf32, #tpu.memory_space<hbm>> -> memref<160x128xf32, #tpu.memory_space<hbm>>
        %dma_start3A_41 = arith.constant 0 : i32
        %dma_start3A_42 = tpu.memref_slice %arg3[%mul3A_38, %dma_start3A_41] : memref<1000000x128xf32, #tpu.memory_space<hbm>> -> memref<160x128xf32, #tpu.memory_space<hbm>>
        tpu.enqueue_dma source(%arg6 : memref<160x128xf32, #tpu.memory_space<vmem>>) target(%dma_start3A_42 : memref<160x128xf32, #tpu.memory_space<hbm>>) target_semaphore(%arg10 : memref<!tpu.dma_semaphore, #tpu.memory_space<semaphore_mem>>)
        %mul3A_43 = arith.constant 32 : i32
        %mul3A_44 = arith.muli %scan3A_6, %mul3A_43 : i32
        %add3A_45 = arith.addi %mul3A_44, %add3A : i32
        %mul3A_46 = arith.constant 160 : i32
        %mul3A_47 = arith.muli %add3A_45, %mul3A_46 : i32
        %dma_wait3A_48 = arith.constant 0 : i32
        %dma_wait3A_49 = tpu.memref_slice %arg3[%mul3A_47, %dma_wait3A_48] : memref<1000000x128xf32, #tpu.memory_space<hbm>> -> memref<160x128xf32, #tpu.memory_space<hbm>>
        %dma_wait3A_50 = arith.constant 0 : i32
        %dma_wait3A_51 = tpu.memref_slice %arg3[%mul3A_47, %dma_wait3A_50] : memref<1000000x128xf32, #tpu.memory_space<hbm>> -> memref<160x128xf32, #tpu.memory_space<hbm>>
        tpu.wait_dma2 semaphore(%arg10 : memref<!tpu.dma_semaphore, #tpu.memory_space<semaphore_mem>>) src(%arg6 : memref<160x128xf32, #tpu.memory_space<vmem>>) dst(%dma_wait3A_51 : memref<160x128xf32, #tpu.memory_space<hbm>>)
      } else {
      }
    }
    %scan3A_5 = arith.constant 196 : i32
    return
  }
}

#map = affine_map<(d0, d1) -> (0, 0)>
#map1 = affine_map<(d0, d1) -> (0)>
module attributes {stable_mosaic.version = 14 : i64} {
  func.func @k2(%arg0: i32, %arg1: i32, %arg2: memref<1000000x128xf32, #tpu.memory_space<hbm>>, %arg3: memref<819200xi32, #tpu.memory_space<hbm>>, %arg4: memref<819200x128xf32, #tpu.memory_space<hbm>>, %arg5: memref<25600xi32, #tpu.memory_space<vmem>>, %arg6: memref<128x128xf32, #tpu.memory_space<vmem>>, %arg7: memref<128x128xf32, #tpu.memory_space<vmem>>, %arg8: memref<128x128xf32, #tpu.memory_space<vmem>>, %arg9: memref<128x128xf32, #tpu.memory_space<vmem>>, %arg10: memref<!tpu.dma_semaphore, #tpu.memory_space<semaphore_mem>>, %arg11: memref<!tpu.dma_semaphore, #tpu.memory_space<semaphore_mem>>, %arg12: memref<!tpu.dma_semaphore, #tpu.memory_space<semaphore_mem>>, %arg13: memref<!tpu.dma_semaphore, #tpu.memory_space<semaphore_mem>>, %arg14: memref<!tpu.dma_semaphore, #tpu.memory_space<semaphore_mem>>, %arg15: memref<!tpu.dma_semaphore, #tpu.memory_space<semaphore_mem>>, %arg16: memref<!tpu.dma_semaphore, #tpu.memory_space<semaphore_mem>>, %arg17: memref<!tpu.dma_semaphore, #tpu.memory_space<semaphore_mem>>) attributes {dimension_semantics = [#tpu.dimension_semantics<core_parallel>, #tpu.dimension_semantics<subcore_parallel>], iteration_bounds = array<i64: 2, 16>, scalar_prefetch = 0 : i64, scratch_operands = 13 : i64, tpu.core_type = #tpu.core_type<sc_vector_subcore>, window_params = [{transform_indices = #map}, {transform_indices = #map1}, {transform_indices = #map}]} {
    %mul3A = arith.constant 2 : i32
    %mul3A_0 = arith.muli %arg1, %mul3A : i32
    %add3A = arith.addi %mul3A_0, %arg0 : i32
    %mul3A_1 = arith.constant 25600 : i32
    %mul3A_2 = arith.muli %add3A, %mul3A_1 : i32
    "tpu.region"() ({
      %run_scoped3A = tpu.sem_alloc : memref<!tpu.dma_semaphore, #tpu.memory_space<semaphore_mem>>
      %dma_start3A_94 = tpu.memref_slice %arg3[%mul3A_2] : memref<819200xi32, #tpu.memory_space<hbm>> -> memref<25600xi32, #tpu.memory_space<hbm>>
      %dma_start3A_95 = tpu.memref_slice %arg3[%mul3A_2] : memref<819200xi32, #tpu.memory_space<hbm>> -> memref<25600xi32, #tpu.memory_space<hbm>>
      tpu.enqueue_dma source(%dma_start3A_95 : memref<25600xi32, #tpu.memory_space<hbm>>) target(%arg5 : memref<25600xi32, #tpu.memory_space<vmem>>) target_semaphore(%run_scoped3A : memref<!tpu.dma_semaphore, #tpu.memory_space<semaphore_mem>>)
      %dma_wait3A_96 = tpu.memref_slice %arg3[%mul3A_2] : memref<819200xi32, #tpu.memory_space<hbm>> -> memref<25600xi32, #tpu.memory_space<hbm>>
      %dma_wait3A_97 = tpu.memref_slice %arg3[%mul3A_2] : memref<819200xi32, #tpu.memory_space<hbm>> -> memref<25600xi32, #tpu.memory_space<hbm>>
      tpu.wait_dma2 semaphore(%run_scoped3A : memref<!tpu.dma_semaphore, #tpu.memory_space<semaphore_mem>>) src(%dma_wait3A_97 : memref<25600xi32, #tpu.memory_space<hbm>>) dst(%arg5 : memref<25600xi32, #tpu.memory_space<vmem>>)
      tpu.yield
    }) : () -> ()
    %dma_start3A = arith.constant 0 : i32
    %dma_start3A_3 = tpu.memref_slice %arg5[%dma_start3A] : memref<25600xi32, #tpu.memory_space<vmem>> -> memref<128xi32, #tpu.memory_space<vmem>>
    %dma_start3A_4 = arith.constant 0 : i32
    %dma_start3A_5 = arith.constant 0 : i32
    %dma_start3A_6 = tpu.memref_slice %arg2[%dma_start3A_4, %dma_start3A_5] : memref<1000000x128xf32, #tpu.memory_space<hbm>> -> memref<1000000x128xf32, #tpu.memory_space<hbm>>
    tpu.enqueue_indirect_dma source(%dma_start3A_6 : memref<1000000x128xf32, #tpu.memory_space<hbm>>) target(%arg6 : memref<128x128xf32, #tpu.memory_space<vmem>>) offsets(%dma_start3A_3 : memref<128xi32, #tpu.memory_space<vmem>>) semaphore(%arg10 : memref<!tpu.dma_semaphore, #tpu.memory_space<semaphore_mem>>)
    %dma_start3A_7 = arith.constant 128 : i32
    %dma_start3A_8 = tpu.memref_slice %arg5[%dma_start3A_7] : memref<25600xi32, #tpu.memory_space<vmem>> -> memref<128xi32, #tpu.memory_space<vmem>>
    %dma_start3A_9 = arith.constant 0 : i32
    %dma_start3A_10 = arith.constant 0 : i32
    %dma_start3A_11 = tpu.memref_slice %arg2[%dma_start3A_9, %dma_start3A_10] : memref<1000000x128xf32, #tpu.memory_space<hbm>> -> memref<1000000x128xf32, #tpu.memory_space<hbm>>
    tpu.enqueue_indirect_dma source(%dma_start3A_11 : memref<1000000x128xf32, #tpu.memory_space<hbm>>) target(%arg7 : memref<128x128xf32, #tpu.memory_space<vmem>>) offsets(%dma_start3A_8 : memref<128xi32, #tpu.memory_space<vmem>>) semaphore(%arg11 : memref<!tpu.dma_semaphore, #tpu.memory_space<semaphore_mem>>)
    %dma_wait3A = arith.constant 0 : i32
    %dma_wait3A_12 = tpu.memref_slice %arg5[%dma_wait3A] : memref<25600xi32, #tpu.memory_space<vmem>> -> memref<128xi32, #tpu.memory_space<vmem>>
    %dma_wait3A_13 = arith.constant 0 : i32
    %dma_wait3A_14 = arith.constant 0 : i32
    %dma_wait3A_15 = tpu.memref_slice %arg2[%dma_wait3A_13, %dma_wait3A_14] : memref<1000000x128xf32, #tpu.memory_space<hbm>> -> memref<1000000x128xf32, #tpu.memory_space<hbm>>
    tpu.wait_indirect_dma semaphore(%arg10 : memref<!tpu.dma_semaphore, #tpu.memory_space<semaphore_mem>>) src(%dma_wait3A_15 : memref<1000000x128xf32, #tpu.memory_space<hbm>>) dst(%arg6 : memref<128x128xf32, #tpu.memory_space<vmem>>)
    %add3A_16 = arith.constant 0 : i32
    %add3A_17 = arith.addi %mul3A_2, %add3A_16 : i32
    %dma_start3A_18 = arith.constant 0 : i32
    %dma_start3A_19 = tpu.memref_slice %arg4[%add3A_17, %dma_start3A_18] : memref<819200x128xf32, #tpu.memory_space<hbm>> -> memref<128x128xf32, #tpu.memory_space<hbm>>
    %dma_start3A_20 = arith.constant 0 : i32
    %dma_start3A_21 = tpu.memref_slice %arg4[%add3A_17, %dma_start3A_20] : memref<819200x128xf32, #tpu.memory_space<hbm>> -> memref<128x128xf32, #tpu.memory_space<hbm>>
    tpu.enqueue_dma source(%arg6 : memref<128x128xf32, #tpu.memory_space<vmem>>) target(%dma_start3A_21 : memref<128x128xf32, #tpu.memory_space<hbm>>) target_semaphore(%arg14 : memref<!tpu.dma_semaphore, #tpu.memory_space<semaphore_mem>>)
    %dma_start3A_22 = arith.constant 256 : i32
    %dma_start3A_23 = tpu.memref_slice %arg5[%dma_start3A_22] : memref<25600xi32, #tpu.memory_space<vmem>> -> memref<128xi32, #tpu.memory_space<vmem>>
    %dma_start3A_24 = arith.constant 0 : i32
    %dma_start3A_25 = arith.constant 0 : i32
    %dma_start3A_26 = tpu.memref_slice %arg2[%dma_start3A_24, %dma_start3A_25] : memref<1000000x128xf32, #tpu.memory_space<hbm>> -> memref<1000000x128xf32, #tpu.memory_space<hbm>>
    tpu.enqueue_indirect_dma source(%dma_start3A_26 : memref<1000000x128xf32, #tpu.memory_space<hbm>>) target(%arg8 : memref<128x128xf32, #tpu.memory_space<vmem>>) offsets(%dma_start3A_23 : memref<128xi32, #tpu.memory_space<vmem>>) semaphore(%arg12 : memref<!tpu.dma_semaphore, #tpu.memory_space<semaphore_mem>>)
    %dma_wait3A_27 = arith.constant 128 : i32
    %dma_wait3A_28 = tpu.memref_slice %arg5[%dma_wait3A_27] : memref<25600xi32, #tpu.memory_space<vmem>> -> memref<128xi32, #tpu.memory_space<vmem>>
    %dma_wait3A_29 = arith.constant 0 : i32
    %dma_wait3A_30 = arith.constant 0 : i32
    %dma_wait3A_31 = tpu.memref_slice %arg2[%dma_wait3A_29, %dma_wait3A_30] : memref<1000000x128xf32, #tpu.memory_space<hbm>> -> memref<1000000x128xf32, #tpu.memory_space<hbm>>
    tpu.wait_indirect_dma semaphore(%arg11 : memref<!tpu.dma_semaphore, #tpu.memory_space<semaphore_mem>>) src(%dma_wait3A_31 : memref<1000000x128xf32, #tpu.memory_space<hbm>>) dst(%arg7 : memref<128x128xf32, #tpu.memory_space<vmem>>)
    %add3A_32 = arith.constant 128 : i32
    %add3A_33 = arith.addi %mul3A_2, %add3A_32 : i32
    %dma_start3A_34 = arith.constant 0 : i32
    %dma_start3A_35 = tpu.memref_slice %arg4[%add3A_33, %dma_start3A_34] : memref<819200x128xf32, #tpu.memory_space<hbm>> -> memref<128x128xf32, #tpu.memory_space<hbm>>
    %dma_start3A_36 = arith.constant 0 : i32
    %dma_start3A_37 = tpu.memref_slice %arg4[%add3A_33, %dma_start3A_36] : memref<819200x128xf32, #tpu.memory_space<hbm>> -> memref<128x128xf32, #tpu.memory_space<hbm>>
    tpu.enqueue_dma source(%arg7 : memref<128x128xf32, #tpu.memory_space<vmem>>) target(%dma_start3A_37 : memref<128x128xf32, #tpu.memory_space<hbm>>) target_semaphore(%arg15 : memref<!tpu.dma_semaphore, #tpu.memory_space<semaphore_mem>>)
    %dma_start3A_38 = arith.constant 384 : i32
    %dma_start3A_39 = tpu.memref_slice %arg5[%dma_start3A_38] : memref<25600xi32, #tpu.memory_space<vmem>> -> memref<128xi32, #tpu.memory_space<vmem>>
    %dma_start3A_40 = arith.constant 0 : i32
    %dma_start3A_41 = arith.constant 0 : i32
    %dma_start3A_42 = tpu.memref_slice %arg2[%dma_start3A_40, %dma_start3A_41] : memref<1000000x128xf32, #tpu.memory_space<hbm>> -> memref<1000000x128xf32, #tpu.memory_space<hbm>>
    tpu.enqueue_indirect_dma source(%dma_start3A_42 : memref<1000000x128xf32, #tpu.memory_space<hbm>>) target(%arg9 : memref<128x128xf32, #tpu.memory_space<vmem>>) offsets(%dma_start3A_39 : memref<128xi32, #tpu.memory_space<vmem>>) semaphore(%arg13 : memref<!tpu.dma_semaphore, #tpu.memory_space<semaphore_mem>>)
    %scan3A = arith.constant 0 : i32
    %scan3A_43 = arith.constant 0 : i32
    %scan3A_44 = arith.constant 49 : i32
    %scan3A_45 = arith.addi %scan3A_43, %scan3A_44 : i32
    %scan3A_46 = arith.constant 1 : i32
    scf.for %scan3A_94 = %scan3A_43 to %scan3A_45 step %scan3A_46  : i32 {
      %mul3A_95 = arith.constant 4 : i32
      %mul3A_96 = arith.muli %scan3A_94, %mul3A_95 : i32
      %add3A_97 = arith.constant 2 : i32
      %add3A_98 = arith.addi %add3A_97, %mul3A_96 : i32
      %add3A_99 = arith.constant 0 : i32
      %add3A_100 = arith.addi %add3A_98, %add3A_99 : i32
      %mul3A_101 = arith.constant 128 : i32
      %mul3A_102 = arith.muli %add3A_100, %mul3A_101 : i32
      %dma_wait3A_103 = tpu.memref_slice %arg5[%mul3A_102] : memref<25600xi32, #tpu.memory_space<vmem>> -> memref<128xi32, #tpu.memory_space<vmem>>
      %dma_wait3A_104 = arith.constant 0 : i32
      %dma_wait3A_105 = arith.constant 0 : i32
      %dma_wait3A_106 = tpu.memref_slice %arg2[%dma_wait3A_104, %dma_wait3A_105] : memref<1000000x128xf32, #tpu.memory_space<hbm>> -> memref<1000000x128xf32, #tpu.memory_space<hbm>>
      tpu.wait_indirect_dma semaphore(%arg12 : memref<!tpu.dma_semaphore, #tpu.memory_space<semaphore_mem>>) src(%dma_wait3A_106 : memref<1000000x128xf32, #tpu.memory_space<hbm>>) dst(%arg8 : memref<128x128xf32, #tpu.memory_space<vmem>>)
      %mul3A_107 = arith.constant 128 : i32
      %mul3A_108 = arith.muli %add3A_100, %mul3A_107 : i32
      %add3A_109 = arith.addi %mul3A_2, %mul3A_108 : i32
      %dma_start3A_110 = arith.constant 0 : i32
      %dma_start3A_111 = tpu.memref_slice %arg4[%add3A_109, %dma_start3A_110] : memref<819200x128xf32, #tpu.memory_space<hbm>> -> memref<128x128xf32, #tpu.memory_space<hbm>>
      %dma_start3A_112 = arith.constant 0 : i32
      %dma_start3A_113 = tpu.memref_slice %arg4[%add3A_109, %dma_start3A_112] : memref<819200x128xf32, #tpu.memory_space<hbm>> -> memref<128x128xf32, #tpu.memory_space<hbm>>
      tpu.enqueue_dma source(%arg8 : memref<128x128xf32, #tpu.memory_space<vmem>>) target(%dma_start3A_113 : memref<128x128xf32, #tpu.memory_space<hbm>>) target_semaphore(%arg16 : memref<!tpu.dma_semaphore, #tpu.memory_space<semaphore_mem>>)
      %sub3A = arith.constant 2 : i32
      %sub3A_114 = arith.subi %add3A_100, %sub3A : i32
      %mul3A_115 = arith.constant 128 : i32
      %mul3A_116 = arith.muli %sub3A_114, %mul3A_115 : i32
      %add3A_117 = arith.addi %mul3A_2, %mul3A_116 : i32
      %dma_wait3A_118 = arith.constant 0 : i32
      %dma_wait3A_119 = tpu.memref_slice %arg4[%add3A_117, %dma_wait3A_118] : memref<819200x128xf32, #tpu.memory_space<hbm>> -> memref<128x128xf32, #tpu.memory_space<hbm>>
      %dma_wait3A_120 = arith.constant 0 : i32
      %dma_wait3A_121 = tpu.memref_slice %arg4[%add3A_117, %dma_wait3A_120] : memref<819200x128xf32, #tpu.memory_space<hbm>> -> memref<128x128xf32, #tpu.memory_space<hbm>>
      tpu.wait_dma2 semaphore(%arg14 : memref<!tpu.dma_semaphore, #tpu.memory_space<semaphore_mem>>) src(%arg6 : memref<128x128xf32, #tpu.memory_space<vmem>>) dst(%dma_wait3A_121 : memref<128x128xf32, #tpu.memory_space<hbm>>)
      %add3A_122 = arith.constant 2 : i32
      %add3A_123 = arith.addi %add3A_100, %add3A_122 : i32
      %mul3A_124 = arith.constant 128 : i32
      %mul3A_125 = arith.muli %add3A_123, %mul3A_124 : i32
      %dma_start3A_126 = tpu.memref_slice %arg5[%mul3A_125] : memref<25600xi32, #tpu.memory_space<vmem>> -> memref<128xi32, #tpu.memory_space<vmem>>
      %dma_start3A_127 = arith.constant 0 : i32
      %dma_start3A_128 = arith.constant 0 : i32
      %dma_start3A_129 = tpu.memref_slice %arg2[%dma_start3A_127, %dma_start3A_128] : memref<1000000x128xf32, #tpu.memory_space<hbm>> -> memref<1000000x128xf32, #tpu.memory_space<hbm>>
      tpu.enqueue_indirect_dma source(%dma_start3A_129 : memref<1000000x128xf32, #tpu.memory_space<hbm>>) target(%arg6 : memref<128x128xf32, #tpu.memory_space<vmem>>) offsets(%dma_start3A_126 : memref<128xi32, #tpu.memory_space<vmem>>) semaphore(%arg10 : memref<!tpu.dma_semaphore, #tpu.memory_space<semaphore_mem>>)
      %mul3A_130 = arith.constant 4 : i32
      %mul3A_131 = arith.muli %scan3A_94, %mul3A_130 : i32
      %add3A_132 = arith.constant 2 : i32
      %add3A_133 = arith.addi %add3A_132, %mul3A_131 : i32
      %add3A_134 = arith.constant 1 : i32
      %add3A_135 = arith.addi %add3A_133, %add3A_134 : i32
      %mul3A_136 = arith.constant 128 : i32
      %mul3A_137 = arith.muli %add3A_135, %mul3A_136 : i32
      %dma_wait3A_138 = tpu.memref_slice %arg5[%mul3A_137] : memref<25600xi32, #tpu.memory_space<vmem>> -> memref<128xi32, #tpu.memory_space<vmem>>
      %dma_wait3A_139 = arith.constant 0 : i32
      %dma_wait3A_140 = arith.constant 0 : i32
      %dma_wait3A_141 = tpu.memref_slice %arg2[%dma_wait3A_139, %dma_wait3A_140] : memref<1000000x128xf32, #tpu.memory_space<hbm>> -> memref<1000000x128xf32, #tpu.memory_space<hbm>>
      tpu.wait_indirect_dma semaphore(%arg13 : memref<!tpu.dma_semaphore, #tpu.memory_space<semaphore_mem>>) src(%dma_wait3A_141 : memref<1000000x128xf32, #tpu.memory_space<hbm>>) dst(%arg9 : memref<128x128xf32, #tpu.memory_space<vmem>>)
      %mul3A_142 = arith.constant 128 : i32
      %mul3A_143 = arith.muli %add3A_135, %mul3A_142 : i32
      %add3A_144 = arith.addi %mul3A_2, %mul3A_143 : i32
      %dma_start3A_145 = arith.constant 0 : i32
      %dma_start3A_146 = tpu.memref_slice %arg4[%add3A_144, %dma_start3A_145] : memref<819200x128xf32, #tpu.memory_space<hbm>> -> memref<128x128xf32, #tpu.memory_space<hbm>>
      %dma_start3A_147 = arith.constant 0 : i32
      %dma_start3A_148 = tpu.memref_slice %arg4[%add3A_144, %dma_start3A_147] : memref<819200x128xf32, #tpu.memory_space<hbm>> -> memref<128x128xf32, #tpu.memory_space<hbm>>
      tpu.enqueue_dma source(%arg9 : memref<128x128xf32, #tpu.memory_space<vmem>>) target(%dma_start3A_148 : memref<128x128xf32, #tpu.memory_space<hbm>>) target_semaphore(%arg17 : memref<!tpu.dma_semaphore, #tpu.memory_space<semaphore_mem>>)
      %sub3A_149 = arith.constant 2 : i32
      %sub3A_150 = arith.subi %add3A_135, %sub3A_149 : i32
      %mul3A_151 = arith.constant 128 : i32
      %mul3A_152 = arith.muli %sub3A_150, %mul3A_151 : i32
      %add3A_153 = arith.addi %mul3A_2, %mul3A_152 : i32
      %dma_wait3A_154 = arith.constant 0 : i32
      %dma_wait3A_155 = tpu.memref_slice %arg4[%add3A_153, %dma_wait3A_154] : memref<819200x128xf32, #tpu.memory_space<hbm>> -> memref<128x128xf32, #tpu.memory_space<hbm>>
      %dma_wait3A_156 = arith.constant 0 : i32
      %dma_wait3A_157 = tpu.memref_slice %arg4[%add3A_153, %dma_wait3A_156] : memref<819200x128xf32, #tpu.memory_space<hbm>> -> memref<128x128xf32, #tpu.memory_space<hbm>>
      tpu.wait_dma2 semaphore(%arg15 : memref<!tpu.dma_semaphore, #tpu.memory_space<semaphore_mem>>) src(%arg7 : memref<128x128xf32, #tpu.memory_space<vmem>>) dst(%dma_wait3A_157 : memref<128x128xf32, #tpu.memory_space<hbm>>)
      %add3A_158 = arith.constant 2 : i32
      %add3A_159 = arith.addi %add3A_135, %add3A_158 : i32
      %mul3A_160 = arith.constant 128 : i32
      %mul3A_161 = arith.muli %add3A_159, %mul3A_160 : i32
      %dma_start3A_162 = tpu.memref_slice %arg5[%mul3A_161] : memref<25600xi32, #tpu.memory_space<vmem>> -> memref<128xi32, #tpu.memory_space<vmem>>
      %dma_start3A_163 = arith.constant 0 : i32
      %dma_start3A_164 = arith.constant 0 : i32
      %dma_start3A_165 = tpu.memref_slice %arg2[%dma_start3A_163, %dma_start3A_164] : memref<1000000x128xf32, #tpu.memory_space<hbm>> -> memref<1000000x128xf32, #tpu.memory_space<hbm>>
      tpu.enqueue_indirect_dma source(%dma_start3A_165 : memref<1000000x128xf32, #tpu.memory_space<hbm>>) target(%arg7 : memref<128x128xf32, #tpu.memory_space<vmem>>) offsets(%dma_start3A_162 : memref<128xi32, #tpu.memory_space<vmem>>) semaphore(%arg11 : memref<!tpu.dma_semaphore, #tpu.memory_space<semaphore_mem>>)
      %mul3A_166 = arith.constant 4 : i32
      %mul3A_167 = arith.muli %scan3A_94, %mul3A_166 : i32
      %add3A_168 = arith.constant 2 : i32
      %add3A_169 = arith.addi %add3A_168, %mul3A_167 : i32
      %add3A_170 = arith.constant 2 : i32
      %add3A_171 = arith.addi %add3A_169, %add3A_170 : i32
      %mul3A_172 = arith.constant 128 : i32
      %mul3A_173 = arith.muli %add3A_171, %mul3A_172 : i32
      %dma_wait3A_174 = tpu.memref_slice %arg5[%mul3A_173] : memref<25600xi32, #tpu.memory_space<vmem>> -> memref<128xi32, #tpu.memory_space<vmem>>
      %dma_wait3A_175 = arith.constant 0 : i32
      %dma_wait3A_176 = arith.constant 0 : i32
      %dma_wait3A_177 = tpu.memref_slice %arg2[%dma_wait3A_175, %dma_wait3A_176] : memref<1000000x128xf32, #tpu.memory_space<hbm>> -> memref<1000000x128xf32, #tpu.memory_space<hbm>>
      tpu.wait_indirect_dma semaphore(%arg10 : memref<!tpu.dma_semaphore, #tpu.memory_space<semaphore_mem>>) src(%dma_wait3A_177 : memref<1000000x128xf32, #tpu.memory_space<hbm>>) dst(%arg6 : memref<128x128xf32, #tpu.memory_space<vmem>>)
      %mul3A_178 = arith.constant 128 : i32
      %mul3A_179 = arith.muli %add3A_171, %mul3A_178 : i32
      %add3A_180 = arith.addi %mul3A_2, %mul3A_179 : i32
      %dma_start3A_181 = arith.constant 0 : i32
      %dma_start3A_182 = tpu.memref_slice %arg4[%add3A_180, %dma_start3A_181] : memref<819200x128xf32, #tpu.memory_space<hbm>> -> memref<128x128xf32, #tpu.memory_space<hbm>>
      %dma_start3A_183 = arith.constant 0 : i32
      %dma_start3A_184 = tpu.memref_slice %arg4[%add3A_180, %dma_start3A_183] : memref<819200x128xf32, #tpu.memory_space<hbm>> -> memref<128x128xf32, #tpu.memory_space<hbm>>
      tpu.enqueue_dma source(%arg6 : memref<128x128xf32, #tpu.memory_space<vmem>>) target(%dma_start3A_184 : memref<128x128xf32, #tpu.memory_space<hbm>>) target_semaphore(%arg14 : memref<!tpu.dma_semaphore, #tpu.memory_space<semaphore_mem>>)
      %sub3A_185 = arith.constant 2 : i32
      %sub3A_186 = arith.subi %add3A_171, %sub3A_185 : i32
      %mul3A_187 = arith.constant 128 : i32
      %mul3A_188 = arith.muli %sub3A_186, %mul3A_187 : i32
      %add3A_189 = arith.addi %mul3A_2, %mul3A_188 : i32
      %dma_wait3A_190 = arith.constant 0 : i32
      %dma_wait3A_191 = tpu.memref_slice %arg4[%add3A_189, %dma_wait3A_190] : memref<819200x128xf32, #tpu.memory_space<hbm>> -> memref<128x128xf32, #tpu.memory_space<hbm>>
      %dma_wait3A_192 = arith.constant 0 : i32
      %dma_wait3A_193 = tpu.memref_slice %arg4[%add3A_189, %dma_wait3A_192] : memref<819200x128xf32, #tpu.memory_space<hbm>> -> memref<128x128xf32, #tpu.memory_space<hbm>>
      tpu.wait_dma2 semaphore(%arg16 : memref<!tpu.dma_semaphore, #tpu.memory_space<semaphore_mem>>) src(%arg8 : memref<128x128xf32, #tpu.memory_space<vmem>>) dst(%dma_wait3A_193 : memref<128x128xf32, #tpu.memory_space<hbm>>)
      %add3A_194 = arith.constant 2 : i32
      %add3A_195 = arith.addi %add3A_171, %add3A_194 : i32
      %mul3A_196 = arith.constant 128 : i32
      %mul3A_197 = arith.muli %add3A_195, %mul3A_196 : i32
      %dma_start3A_198 = tpu.memref_slice %arg5[%mul3A_197] : memref<25600xi32, #tpu.memory_space<vmem>> -> memref<128xi32, #tpu.memory_space<vmem>>
      %dma_start3A_199 = arith.constant 0 : i32
      %dma_start3A_200 = arith.constant 0 : i32
      %dma_start3A_201 = tpu.memref_slice %arg2[%dma_start3A_199, %dma_start3A_200] : memref<1000000x128xf32, #tpu.memory_space<hbm>> -> memref<1000000x128xf32, #tpu.memory_space<hbm>>
      tpu.enqueue_indirect_dma source(%dma_start3A_201 : memref<1000000x128xf32, #tpu.memory_space<hbm>>) target(%arg8 : memref<128x128xf32, #tpu.memory_space<vmem>>) offsets(%dma_start3A_198 : memref<128xi32, #tpu.memory_space<vmem>>) semaphore(%arg12 : memref<!tpu.dma_semaphore, #tpu.memory_space<semaphore_mem>>)
      %mul3A_202 = arith.constant 4 : i32
      %mul3A_203 = arith.muli %scan3A_94, %mul3A_202 : i32
      %add3A_204 = arith.constant 2 : i32
      %add3A_205 = arith.addi %add3A_204, %mul3A_203 : i32
      %add3A_206 = arith.constant 3 : i32
      %add3A_207 = arith.addi %add3A_205, %add3A_206 : i32
      %mul3A_208 = arith.constant 128 : i32
      %mul3A_209 = arith.muli %add3A_207, %mul3A_208 : i32
      %dma_wait3A_210 = tpu.memref_slice %arg5[%mul3A_209] : memref<25600xi32, #tpu.memory_space<vmem>> -> memref<128xi32, #tpu.memory_space<vmem>>
      %dma_wait3A_211 = arith.constant 0 : i32
      %dma_wait3A_212 = arith.constant 0 : i32
      %dma_wait3A_213 = tpu.memref_slice %arg2[%dma_wait3A_211, %dma_wait3A_212] : memref<1000000x128xf32, #tpu.memory_space<hbm>> -> memref<1000000x128xf32, #tpu.memory_space<hbm>>
      tpu.wait_indirect_dma semaphore(%arg11 : memref<!tpu.dma_semaphore, #tpu.memory_space<semaphore_mem>>) src(%dma_wait3A_213 : memref<1000000x128xf32, #tpu.memory_space<hbm>>) dst(%arg7 : memref<128x128xf32, #tpu.memory_space<vmem>>)
      %mul3A_214 = arith.constant 128 : i32
      %mul3A_215 = arith.muli %add3A_207, %mul3A_214 : i32
      %add3A_216 = arith.addi %mul3A_2, %mul3A_215 : i32
      %dma_start3A_217 = arith.constant 0 : i32
      %dma_start3A_218 = tpu.memref_slice %arg4[%add3A_216, %dma_start3A_217] : memref<819200x128xf32, #tpu.memory_space<hbm>> -> memref<128x128xf32, #tpu.memory_space<hbm>>
      %dma_start3A_219 = arith.constant 0 : i32
      %dma_start3A_220 = tpu.memref_slice %arg4[%add3A_216, %dma_start3A_219] : memref<819200x128xf32, #tpu.memory_space<hbm>> -> memref<128x128xf32, #tpu.memory_space<hbm>>
      tpu.enqueue_dma source(%arg7 : memref<128x128xf32, #tpu.memory_space<vmem>>) target(%dma_start3A_220 : memref<128x128xf32, #tpu.memory_space<hbm>>) target_semaphore(%arg15 : memref<!tpu.dma_semaphore, #tpu.memory_space<semaphore_mem>>)
      %sub3A_221 = arith.constant 2 : i32
      %sub3A_222 = arith.subi %add3A_207, %sub3A_221 : i32
      %mul3A_223 = arith.constant 128 : i32
      %mul3A_224 = arith.muli %sub3A_222, %mul3A_223 : i32
      %add3A_225 = arith.addi %mul3A_2, %mul3A_224 : i32
      %dma_wait3A_226 = arith.constant 0 : i32
      %dma_wait3A_227 = tpu.memref_slice %arg4[%add3A_225, %dma_wait3A_226] : memref<819200x128xf32, #tpu.memory_space<hbm>> -> memref<128x128xf32, #tpu.memory_space<hbm>>
      %dma_wait3A_228 = arith.constant 0 : i32
      %dma_wait3A_229 = tpu.memref_slice %arg4[%add3A_225, %dma_wait3A_228] : memref<819200x128xf32, #tpu.memory_space<hbm>> -> memref<128x128xf32, #tpu.memory_space<hbm>>
      tpu.wait_dma2 semaphore(%arg17 : memref<!tpu.dma_semaphore, #tpu.memory_space<semaphore_mem>>) src(%arg9 : memref<128x128xf32, #tpu.memory_space<vmem>>) dst(%dma_wait3A_229 : memref<128x128xf32, #tpu.memory_space<hbm>>)
      %add3A_230 = arith.constant 2 : i32
      %add3A_231 = arith.addi %add3A_207, %add3A_230 : i32
      %mul3A_232 = arith.constant 128 : i32
      %mul3A_233 = arith.muli %add3A_231, %mul3A_232 : i32
      %dma_start3A_234 = tpu.memref_slice %arg5[%mul3A_233] : memref<25600xi32, #tpu.memory_space<vmem>> -> memref<128xi32, #tpu.memory_space<vmem>>
      %dma_start3A_235 = arith.constant 0 : i32
      %dma_start3A_236 = arith.constant 0 : i32
      %dma_start3A_237 = tpu.memref_slice %arg2[%dma_start3A_235, %dma_start3A_236] : memref<1000000x128xf32, #tpu.memory_space<hbm>> -> memref<1000000x128xf32, #tpu.memory_space<hbm>>
      tpu.enqueue_indirect_dma source(%dma_start3A_237 : memref<1000000x128xf32, #tpu.memory_space<hbm>>) target(%arg9 : memref<128x128xf32, #tpu.memory_space<vmem>>) offsets(%dma_start3A_234 : memref<128xi32, #tpu.memory_space<vmem>>) semaphore(%arg13 : memref<!tpu.dma_semaphore, #tpu.memory_space<semaphore_mem>>)
    }
    %scan3A_47 = arith.constant 49 : i32
    %dma_wait3A_48 = arith.constant 25344 : i32
    %dma_wait3A_49 = tpu.memref_slice %arg5[%dma_wait3A_48] : memref<25600xi32, #tpu.memory_space<vmem>> -> memref<128xi32, #tpu.memory_space<vmem>>
    %dma_wait3A_50 = arith.constant 0 : i32
    %dma_wait3A_51 = arith.constant 0 : i32
    %dma_wait3A_52 = tpu.memref_slice %arg2[%dma_wait3A_50, %dma_wait3A_51] : memref<1000000x128xf32, #tpu.memory_space<hbm>> -> memref<1000000x128xf32, #tpu.memory_space<hbm>>
    tpu.wait_indirect_dma semaphore(%arg12 : memref<!tpu.dma_semaphore, #tpu.memory_space<semaphore_mem>>) src(%dma_wait3A_52 : memref<1000000x128xf32, #tpu.memory_space<hbm>>) dst(%arg8 : memref<128x128xf32, #tpu.memory_space<vmem>>)
    %add3A_53 = arith.constant 25344 : i32
    %add3A_54 = arith.addi %mul3A_2, %add3A_53 : i32
    %dma_start3A_55 = arith.constant 0 : i32
    %dma_start3A_56 = tpu.memref_slice %arg4[%add3A_54, %dma_start3A_55] : memref<819200x128xf32, #tpu.memory_space<hbm>> -> memref<128x128xf32, #tpu.memory_space<hbm>>
    %dma_start3A_57 = arith.constant 0 : i32
    %dma_start3A_58 = tpu.memref_slice %arg4[%add3A_54, %dma_start3A_57] : memref<819200x128xf32, #tpu.memory_space<hbm>> -> memref<128x128xf32, #tpu.memory_space<hbm>>
    tpu.enqueue_dma source(%arg8 : memref<128x128xf32, #tpu.memory_space<vmem>>) target(%dma_start3A_58 : memref<128x128xf32, #tpu.memory_space<hbm>>) target_semaphore(%arg16 : memref<!tpu.dma_semaphore, #tpu.memory_space<semaphore_mem>>)
    %dma_wait3A_59 = arith.constant 25472 : i32
    %dma_wait3A_60 = tpu.memref_slice %arg5[%dma_wait3A_59] : memref<25600xi32, #tpu.memory_space<vmem>> -> memref<128xi32, #tpu.memory_space<vmem>>
    %dma_wait3A_61 = arith.constant 0 : i32
    %dma_wait3A_62 = arith.constant 0 : i32
    %dma_wait3A_63 = tpu.memref_slice %arg2[%dma_wait3A_61, %dma_wait3A_62] : memref<1000000x128xf32, #tpu.memory_space<hbm>> -> memref<1000000x128xf32, #tpu.memory_space<hbm>>
    tpu.wait_indirect_dma semaphore(%arg13 : memref<!tpu.dma_semaphore, #tpu.memory_space<semaphore_mem>>) src(%dma_wait3A_63 : memref<1000000x128xf32, #tpu.memory_space<hbm>>) dst(%arg9 : memref<128x128xf32, #tpu.memory_space<vmem>>)
    %add3A_64 = arith.constant 25472 : i32
    %add3A_65 = arith.addi %mul3A_2, %add3A_64 : i32
    %dma_start3A_66 = arith.constant 0 : i32
    %dma_start3A_67 = tpu.memref_slice %arg4[%add3A_65, %dma_start3A_66] : memref<819200x128xf32, #tpu.memory_space<hbm>> -> memref<128x128xf32, #tpu.memory_space<hbm>>
    %dma_start3A_68 = arith.constant 0 : i32
    %dma_start3A_69 = tpu.memref_slice %arg4[%add3A_65, %dma_start3A_68] : memref<819200x128xf32, #tpu.memory_space<hbm>> -> memref<128x128xf32, #tpu.memory_space<hbm>>
    tpu.enqueue_dma source(%arg9 : memref<128x128xf32, #tpu.memory_space<vmem>>) target(%dma_start3A_69 : memref<128x128xf32, #tpu.memory_space<hbm>>) target_semaphore(%arg17 : memref<!tpu.dma_semaphore, #tpu.memory_space<semaphore_mem>>)
    %add3A_70 = arith.constant 25088 : i32
    %add3A_71 = arith.addi %mul3A_2, %add3A_70 : i32
    %dma_wait3A_72 = arith.constant 0 : i32
    %dma_wait3A_73 = tpu.memref_slice %arg4[%add3A_71, %dma_wait3A_72] : memref<819200x128xf32, #tpu.memory_space<hbm>> -> memref<128x128xf32, #tpu.memory_space<hbm>>
    %dma_wait3A_74 = arith.constant 0 : i32
    %dma_wait3A_75 = tpu.memref_slice %arg4[%add3A_71, %dma_wait3A_74] : memref<819200x128xf32, #tpu.memory_space<hbm>> -> memref<128x128xf32, #tpu.memory_space<hbm>>
    tpu.wait_dma2 semaphore(%arg14 : memref<!tpu.dma_semaphore, #tpu.memory_space<semaphore_mem>>) src(%arg6 : memref<128x128xf32, #tpu.memory_space<vmem>>) dst(%dma_wait3A_75 : memref<128x128xf32, #tpu.memory_space<hbm>>)
    %add3A_76 = arith.constant 25216 : i32
    %add3A_77 = arith.addi %mul3A_2, %add3A_76 : i32
    %dma_wait3A_78 = arith.constant 0 : i32
    %dma_wait3A_79 = tpu.memref_slice %arg4[%add3A_77, %dma_wait3A_78] : memref<819200x128xf32, #tpu.memory_space<hbm>> -> memref<128x128xf32, #tpu.memory_space<hbm>>
    %dma_wait3A_80 = arith.constant 0 : i32
    %dma_wait3A_81 = tpu.memref_slice %arg4[%add3A_77, %dma_wait3A_80] : memref<819200x128xf32, #tpu.memory_space<hbm>> -> memref<128x128xf32, #tpu.memory_space<hbm>>
    tpu.wait_dma2 semaphore(%arg15 : memref<!tpu.dma_semaphore, #tpu.memory_space<semaphore_mem>>) src(%arg7 : memref<128x128xf32, #tpu.memory_space<vmem>>) dst(%dma_wait3A_81 : memref<128x128xf32, #tpu.memory_space<hbm>>)
    %add3A_82 = arith.constant 25344 : i32
    %add3A_83 = arith.addi %mul3A_2, %add3A_82 : i32
    %dma_wait3A_84 = arith.constant 0 : i32
    %dma_wait3A_85 = tpu.memref_slice %arg4[%add3A_83, %dma_wait3A_84] : memref<819200x128xf32, #tpu.memory_space<hbm>> -> memref<128x128xf32, #tpu.memory_space<hbm>>
    %dma_wait3A_86 = arith.constant 0 : i32
    %dma_wait3A_87 = tpu.memref_slice %arg4[%add3A_83, %dma_wait3A_86] : memref<819200x128xf32, #tpu.memory_space<hbm>> -> memref<128x128xf32, #tpu.memory_space<hbm>>
    tpu.wait_dma2 semaphore(%arg16 : memref<!tpu.dma_semaphore, #tpu.memory_space<semaphore_mem>>) src(%arg8 : memref<128x128xf32, #tpu.memory_space<vmem>>) dst(%dma_wait3A_87 : memref<128x128xf32, #tpu.memory_space<hbm>>)
    %add3A_88 = arith.constant 25472 : i32
    %add3A_89 = arith.addi %mul3A_2, %add3A_88 : i32
    %dma_wait3A_90 = arith.constant 0 : i32
    %dma_wait3A_91 = tpu.memref_slice %arg4[%add3A_89, %dma_wait3A_90] : memref<819200x128xf32, #tpu.memory_space<hbm>> -> memref<128x128xf32, #tpu.memory_space<hbm>>
    %dma_wait3A_92 = arith.constant 0 : i32
    %dma_wait3A_93 = tpu.memref_slice %arg4[%add3A_89, %dma_wait3A_92] : memref<819200x128xf32, #tpu.memory_space<hbm>> -> memref<128x128xf32, #tpu.memory_space<hbm>>
    tpu.wait_dma2 semaphore(%arg17 : memref<!tpu.dma_semaphore, #tpu.memory_space<semaphore_mem>>) src(%arg9 : memref<128x128xf32, #tpu.memory_space<vmem>>) dst(%dma_wait3A_93 : memref<128x128xf32, #tpu.memory_space<hbm>>)
    return
  }
}

</mosaic_0001>

<sc_bundles>
// kernel: _embed.4.cloned.1.call-start
scs
__scs_entry_jumppad:
0x0: {  	(pc) =	sbr.rel $0x88, $3  }
0x1: {  	(tag) =	ssettag $0x0;
	lr =	simm.s32 $0x1  }
0x2: {  	[smem:$0x3F9F] =	sst lr;
	_ =	strace $0xD0000000  }
0x3: {  	_ = 	snop  }
0x4: {  	_ = 	snop  }
0x5: {  	_ = 	snop  }
0x6: {  	_ = 	snop  }
0x7: {  	_ = 	snop  }
__scs_overlays_trampoline_lowered:
0x8: {  	[smem:$0x3FAE] =	sst s0  }
0x9: {  	[smem:$0x3FAF] =	sst s1  }
0xa: {  	[smem:$0x3FB0] =	sst s2  }
0xb: {  	[smem:$0x3FB1] =	sst s3  }
0xc: {  	[smem:$0x3FB2] =	sst s4  }
0xd: {  	[smem:$0x3FB3] =	sst s5  }
0xe: {  	[smem:$0x3FB4] =	sst s6  }
0xf: {  	[smem:$0x3FB5] =	sst s7  }
0x10: {  	[smem:$0x3FB6] =	sst s8  }
0x11: {  	[smem:$0x3FB7] =	sst s9;
	s0 =	simm.s32 @!p0 $0x0  }
0x12: {  	s1 =	sld [smem:$0x3F9D];
	s0 =	simm.s32 @p0 $0x1  }
0x13: {  	[smem:$0x3FB8] =	sst s0;
	s0 =	simm.s32 @!p1 $0x0  }
0x14: {  	s2 =	sld [smem:$0x3F9C];
	s0 =	simm.s32 @p1 $0x1  }
0x15: {  	[smem:$0x3FB9] =	sst s0;
	s0 =	simm.s32 @!p2 $0x0  }
0x16: {  	s3 =	sld [smem:$0x3FDB];
	s0 =	simm.s32 @p2 $0x1  }
0x17: {  	s4 =	simm.s32 $0x1BF5;
	[smem:$0x3FBB] =	sst s0  }
0x18: {  	s0 =	sld [smem:$0x3F9E];
	_ =	swait.ge [sflag:s4], $0x0  }
0x19: {  	s7 =	sld [smem:$0x3F9F]  }
0x1a: {  	s8 =	sadd.s32 $0xFFFFE003, lr  }
0x1b: {  	s9 =	sadd.s32 $0xFFFFFEF7, lr;
	s5 =	simm.s32 $0xFFFFFFFF;
	p2 =	slt.u32 s8, $0xFFFFF086  }
0x1c: {  	p1 =	slt.u32 s9, $0xF7A;
	s5 =	simm.s32 @!p2 $0x0  }
0x1d: {  	s5 =	simm.s32 @p1 $0x1;
	p0 =	seq.s32 s7, s2  }
0x1e: {  	s7 =	smul.u32 @!p0 $0xF7A, s2;
	p2 =	seq.s32 @!p0 s5, $0x0  }
0x1f: {  	s9 =	smul.u32 $0xF7A, s1;
	s8 =	simm.s32 @!p0 $0x1BF5;
	p2 =	por !p2, p0  }
0x20: {  	[sflag:s8] =	ssyncset.s32 @!p0 $0xFFFFF086;
	s6 =	sadd.s32 @!p0 s3, s7;
	s7 =	simm.s32 @!p0 $0x108  }
0x21: {  	s3 =	sadd.s32 s3, s9;
	s6 =	sadd.s32 @!p0 $0x88, s6;
	s7 =	simm.s32 @p2 $0x1082  }
0x22: {  	[simem:s7], [sflag:s8] =	dma.local @!p0 [hbm:s6], $0xF7A  }
0x23: {  	s9 =	sor.u32 $0xD0000000, s2;
	s6 =	simm.s32 $0x108;
	_ =	swait.ge @!p0 [sflag:s8], $0x0  }
0x24: {  	s3 =	sadd.s32 $0x88, s3;
	s6 =	simm.s32 @!p1 $0x1082;
	[sflag:s4] =	ssyncset.s32 $0xFFFFF086  }
0x25: {  	[simem:s6], [sflag:s4] =	dma.local [hbm:s3], $0xF7A  }
0x26: {  	[smem:$0x3F9F] =	sst s1;
	(tag) =	ssettag s2;
	_ =	strace s9  }
0x27: {  	s1 =	sld [smem:$0x3FAF]  }
0x28: {  	s2 =	sld [smem:$0x3FB0]  }
0x29: {  	s4 =	sld [smem:$0x3FB2]  }
0x2a: {  	p0 =	seq.s32 s5, $0x0;
	s5 =	sld [smem:$0x3FB3]  }
0x2b: {  	s6 =	sld [smem:$0x3FB4]  }
0x2c: {  	s7 =	sld [smem:$0x3FB5]  }
0x2d: {  	s3 =	simm.s32 $0x108;
	s8 =	sld [smem:$0x3FB6]  }
0x2e: {  	s3 =	simm.s32 @!p0 $0x1082;
	s9 =	sld [smem:$0x3FB7]  }
0x2f: {  	lr =	sadd.s32 s0, s3;
	s0 =	sld [smem:$0x3FAE]  }
0x30: {  	s3 =	sld [smem:$0x3FB1]  }
0x31: {  	[smem:$0x3FBA] =	sst s10  }
0x32: {  	s10 =	sld [smem:$0x3FB8];
	_ =	sdelay $0x3  }
0x33: {  	p0 =	seq.s32 s10, $0x1;
	s10 =	sld [smem:$0x3FBA];
	_ =	sdelay $0x3  }
0x34: {  	[smem:$0x3FBA] =	sst s10  }
0x35: {  	s10 =	sld [smem:$0x3FB9];
	_ =	sdelay $0x3  }
0x36: {  	p1 =	seq.s32 s10, $0x1;
	s10 =	sld [smem:$0x3FBA];
	_ =	sdelay $0x3  }
0x37: {  	[smem:$0x3FBA] =	sst s10  }
0x38: {  	s10 =	sld [smem:$0x3FBB]  }
0x39: {  	_ = 	snop;
	(pc) =	sbr.ind lr, $3  }
0x3a: {  	_ = 	snop  }
0x3b: {  	_ = 	snop  }
0x3c: {  	p2 =	seq.s32 s10, $0x1;
	s10 =	sld [smem:$0x3FBA]  }
0x3d: {  	_ =	shalt  }
0x3e: {  	_ =	shalt  }
0x3f: {  	_ =	shalt  }
0x40: {  	_ =	shalt  }
0x41: {  	_ =	shalt  }
0x42: {  	_ =	shalt  }
0x43: {  	_ =	shalt  }
0x44: {  	_ =	shalt  }
0x45: {  	_ =	shalt  }
0x46: {  	_ =	shalt  }
0x47: {  	_ =	shalt  }
0x48: {  	_ =	shalt  }
0x49: {  	_ =	shalt  }
0x4a: {  	_ =	shalt  }
0x4b: {  	_ =	shalt  }
0x4c: {  	_ =	shalt  }
0x4d: {  	_ =	shalt  }
0x4e: {  	_ =	shalt  }
0x4f: {  	_ =	shalt  }
0x50: {  	_ =	shalt  }
0x51: {  	_ =	shalt  }
0x52: {  	_ =	shalt  }
0x53: {  	_ =	shalt  }
0x54: {  	_ =	shalt  }
0x55: {  	_ =	shalt  }
0x56: {  	_ =	shalt  }
0x57: {  	_ =	shalt  }
0x58: {  	_ =	shalt  }
0x59: {  	_ =	shalt  }
0x5a: {  	_ =	shalt  }
0x5b: {  	_ =	shalt  }
0x5c: {  	_ =	shalt  }
0x5d: {  	_ =	shalt  }
0x5e: {  	_ =	shalt  }
0x5f: {  	_ =	shalt  }
0x60: {  	_ =	shalt  }
0x61: {  	_ =	shalt  }
0x62: {  	_ =	shalt  }
0x63: {  	_ =	shalt  }
0x64: {  	_ =	shalt  }
0x65: {  	_ =	shalt  }
0x66: {  	_ =	shalt  }
0x67: {  	_ =	shalt  }
0x68: {  	_ =	shalt  }
0x69: {  	_ =	shalt  }
0x6a: {  	_ =	shalt  }
0x6b: {  	_ =	shalt  }
0x6c: {  	_ =	shalt  }
0x6d: {  	_ =	shalt  }
0x6e: {  	_ =	shalt  }
0x6f: {  	_ =	shalt  }
0x70: {  	_ =	shalt  }
0x71: {  	_ =	shalt  }
0x72: {  	_ =	shalt  }
0x73: {  	_ =	shalt  }
0x74: {  	_ =	shalt  }
0x75: {  	_ =	shalt  }
0x76: {  	_ =	shalt  }
0x77: {  	_ =	shalt  }
0x78: {  	_ =	shalt  }
0x79: {  	_ =	shalt  }
0x7a: {  	_ =	shalt  }
0x7b: {  	_ =	shalt  }
0x7c: {  	_ =	shalt  }
0x7d: {  	_ =	shalt  }
0x7e: {  	_ =	shalt  }
0x7f: {  	_ =	shalt  }
0x80: {  	_ =	shalt  }
0x81: {  	_ =	shalt  }
0x82: {  	_ =	shalt  }
0x83: {  	_ =	shalt  }
0x84: {  	_ =	shalt  }
0x85: {  	_ =	shalt  }
0x86: {  	_ =	shalt  }
0x87: {  	_ =	shalt  }
.Lfunc_end0:
.L_simem_size_0:
called_computation.1_lowered:
.L_overlay_start_0:
0x88: {  	s2 =	sld [smem:$0x3FD9]  }
0x89: {  	s3 =	sld [smem:$0x3FFE];
	_ =	sdelay $0x1  }
0x8a: {  	s1 =	srdreg.scid  }
0x8b: {  	s0 =	sand.u32 $0x1, s1  }
0x8c: {  	s16 =	sshll.u32 s0, $0xA;
	s2 =	sadd.s32 s3, s2  }
0x8d: {  	s2 =	sadd.s32 s2, s16  }
0x8e: {  	[smem:$0x3FC6] =	sst s2  }
0x8f: {  	_ = 	snop  }
0x90: {  	(tm) =	ssettm $0x1  }
0x91: {  	s17 =	sld [smem:$0x3FFB];
	_ =	sdelay $0x3  }
0x92: {  	_ =	strace s17  }
0x93: {  	s2 =	sld [smem:$0x3FFC];
	_ =	sdelay $0x3  }
0x94: {  	_ =	strace s2  }
0x95: {  	s2 =	sld [smem:$0x3FFD];
	_ =	sdelay $0x3  }
0x96: {  	_ =	strace s2  }
0x97: {  	_ =	strace $0x8FFFFFFF  }
0x98: {  	s18 =	sld [smem:$0x3FDB];
	_ =	sdelay $0x1  }
0x99: {  	s19 =	simm.s32 $_scs_section_size  }
0x9a: {  	s4 =	simm.s32 $_size__tile_overlayer_lowered;
	s5 =	simm.s32 $_tile_overlayer_lowered  }
0x9b: {  	s22 =	simm.s32 $0x1BFF;
	s21 =	sshll.u32 s5, $0x1;
	s2 =	sadd.s32 s19, s18  }
0x9c: {  	s6 =	simm.s32 $0x0;
	s20 =	sshll.u32 s4, $0x1;
	s4 =	sadd.s32 s21, s2  }
0x9d: {  	[timem:s6], [sflag:s22] =	dma.local [hbm:s4], s20  }
0x9e: {  	_ =	swait.ge [sflag:s22], s20  }
0x9f: {  	s3 =	ssub.s32 $0x0, s20;
	[sflag:s22] =	ssyncset.done $0x0  }
0xa0: {  	[sflag:s22] =	ssyncadd.s32 s3;
	_ =	sdelay $0x1  }
0xa1: {  	s23 =	simm.s32 $0x1B8B  }
0xa2: {  	_ =	swait.ge [sflag:s23], $0x1  }
0xa3: {  	[sflag:s23] =	ssyncset.done $0x0  }
0xa4: {  	s25 =	simm.s32 $0x1B8E;
	s24 =	sld [smem:$0x3FFE];
	[sflag:s23] =	ssyncadd.s32 $0xFFFFFFFF  }
0xa5: {  	s26 =	simm.s32 $execute0_lowered;
	[smem:$0x3FD2] =	sst s25  }
0xa6: {  	s4 =	sshll.u32 s26, $0x1;
	_ =	strace $0x80000046;
	[dreg:$0x1] =	wrdreg $0xFFFFFFFF  }
0xa7: {  	s28 =	simm.s32 $_size_execute0_lowered;
	s2 =	sadd.s32 s2, s4;
	[dreg:$0x0] =	wrdreg $0x0  }
0xa8: {  	s4 =	sshll.u32 s28, $0x1;
	[dreg:$0x2] =	wrdreg s2  }
0xa9: {  	[dreg:$0x3] =	wrdreg s4  }
0xaa: {  	[dreg:$0x4] =	wrdreg $0xC0  }
0xab: {  	_ =	task [dreg:s6], $0x5FFFF  }
0xac: {  	[dreg:$0x1] =	wrdreg $0xFFFFFFFF  }
0xad: {  	[dreg:$0x0] =	wrdreg $0x60  }
0xae: {  	[dreg:$0x2] =	wrdreg s24  }
0xaf: {  	[dreg:$0x3] =	wrdreg $0x9  }
0xb0: {  	_ =	task.clear_ibuf [dreg:s6], $0x4FFFF;
	_ =	strace $0x90000046  }
0xb1: {  	s29 =	simm.s32 $0x9;
	_ =	strace $0x80000048  }
0xb2: {  	_ =	swait.ge [sflag:s29], $0x1  }
0xb3: {  	[sflag:s29] =	ssyncadd.s32 $0xFFFFFFFF  }
0xb4: {  	_ =	strace $0x90000048  }
0xb5: {  	_ =	sfence  }
0xb6: {  	s30 =	sld [smem:$0x0];
	_ =	sdelay $0x2  }
0xb7: {  	s31 =	sshll.u32 s1, $0xD;
	s1 =	sshrl.u32 s1, $0x2  }
0xb8: {  	s3 =	sand.u32 $0x4000, s31;
	s1 =	sadd.s32 s1, s30  }
0xb9: {  	s0 =	sor.u32 s3, s0;
	s1 =	sshll.u32 s1, $0x11  }
0xba: {  	s0 =	sor.u32 s1, s0  }
0xbb: {  	s0 =	sadd.s32 $0x8F2B, s0  }
0xbc: {  	[sflag:s0] =	ssyncadd.remote.s32 $0x1  }
0xbd: {  	_ =	sfence.sel $0xFFFF  }
0xbe: {  	[dreg:$0x0] =	wrdreg $0xFFFFFFFF;
	(pc) =	sbr.abs _section_cstart, $3  }
0xbf: {  	[dreg:$0x1] =	wrdreg $0xFFFFFFFF  }
0xc0: {  	_ =	task.clear_ibuf [dreg:s6], $0x2FFFF;
	_ =	strace $0x9FFFFFFF  }
0xc1: {  	(tm) =	ssettm $0x7FFFFFFF  }
tec
execute0_lowered:
.L_overlay_start_1:
0x0: {  	(tag) =	ssettag $0x1  }
0x1: {  	s3 =	rddreg [dreg:$0x0];
	s2 =	srdreg.scid  }
0x2: {  	s0 =	rddreg [dreg:$0x1];
	s1 =	simm.s32 $0x0;
	s8 =	simm.s32 $0x1  }
.Ltmp0:
0x3: {  	s9 =	simm.s32 $0x5000;
	s2 =	sand.u32 $0x1, s2;
	(pc) =	sbr.rel .LBB2_1-.Ltmp0, $4  }
0x4: {  	s10 =	simm.s32 $0x2;
	s11 =	simm.s32 $0x0;
	s6 =	ssub.s32 $0x2, s2  }
0x5: {  	[smem:$0x7FF] =	sst s1;
	s4 =	sadd.s32 $0xE00, s3;
	s7 =	sshrl.u32 s6, $0x1  }
0x6: {  	s5 =	sadd.s32 $0xF43200, s3;
	s3 =	stileid.u32;
	s7 =	ssub.s32 s6, s7  }
0x7: {  	_ =	strace $0x80000047;
	s6 =	sshll.u32 s3, $0x1;
	s7 =	smax.u32 s7, $0x1  }
.LBB2_7:
0x8: {  	s11 =	sadd.s32 $0x1, s11  }
0x9: {  	p0 =	sne.s32 s11, s7  }
.Ltmp1:
0xa: {  	_ = 	snop;
	(pc) =	sbr.rel @!p0 .LBB2_8-.Ltmp1, $1  }
0xb: {  	_ =	sdelay $0x3  }
.LBB2_1:
.Ltmp2:
0xc: {  	(pc) =	sbr.rel .LBB2_2-.Ltmp2, $2  }
0xd: {  	_ =	sdelay $0x2  }
0xe: {  	s12 =	simm.s32 $0x0  }
.LBB2_6:
0xf: {  	s12 =	sadd.s32 $0x1, s12  }
0x10: {  	p0 =	sne.s32 s12, $0xC4  }
.Ltmp3:
0x11: {  	_ = 	snop;
	(pc) =	sbr.rel @!p0 .LBB2_7-.Ltmp3, $1  }
0x12: {  	_ =	sdelay $0x3  }
.LBB2_2:
0x13: {  	s13 =	sshll.u32 s12, $0x5  }
0x14: {  	s13 =	sor.u32 s6, s13  }
0x15: {  	p0 =	sgt.u32 s13, $0x1869  }
.Ltmp4:
0x16: {  	_ = 	snop;
	(pc) =	sbr.rel @p0 .LBB2_6-.Ltmp4, $1  }
0x17: {  	_ =	sdelay $0x3  }
0x18: {  	s13 =	sor.u32 s2, s13  }
0x19: {  	s13 =	smul.u32 $0xA00, s13;
	_ =	sdelay $0x1  }
0x1a: {  	s15 =	simm.s32 $0x0;
	s14 =	sadd.s32 s4, s13  }
0x1b: {  	[tilespmem:s15], [sflag:$0x1] =	stream.linear.gather [hbm4b:s14+s15], $0x5000, $0x38;
	[tilespmem:$0xA000] =	vst v63  }
0x1c: {  	_ =	swait.ge [sflag:s8], $0x5000  }
0x1d: {  	[sflag:s8] =	ssyncset.done $0x0  }
0x1e: {  	s15 =	simm.s32 $0x0;
	[sflag:s8] =	ssyncadd.s32 $0xFFFFB000  }
0x1f: {  	v0 =	vld [tilespmem:s15+$0x30]  }
0x20: {  	v2 =	vld [tilespmem:s15+$0x0]  }
0x21: {  	v4 =	vld [tilespmem:s15+$0x10]  }
0x22: {  	v1 =	vld [tilespmem:s15+$0x20];
	_ =	sdelay $0x1  }
0x23: {  	v0 =	vmul.f32 $1.250000000e-01, v0  }
0x24: {  	v3 =	vmul.f32 $1.250000000e-01, v2  }
0x25: {  	s16 =	simm.s32 $0x400;
	s14 =	simm.s32 $0x80;
	v2 =	vmul.f32 $1.250000000e-01, v4;
	[tilespmem:s15+$0x5070] =	vst v0  }
.LBB2_4:
0x26: {  	p0 =	sne.s32 s16, $0x13E00;
	v4 =	vld [tilespmem:s14+$0x30];
	[tilespmem:s15+$0x5000] =	vst v3;
	v5 =	vmul.f32 $1.250000000e-01, v1  }
0x27: {  	v6 =	vld [tilespmem:s14+$0x0];
	[tilespmem:s15+$0x5040] =	vst v3  }
0x28: {  	v7 =	vld [tilespmem:s14+$0x10];
	[tilespmem:s15+$0x5010] =	vst v2  }
.Ltmp5:
0x29: {  	v1 =	vld [tilespmem:s14+$0x20];
	[tilespmem:s15+$0x5050] =	vst v2;
	(pc) =	sbr.rel @p0 .LBB2_4-.Ltmp5, $4  }
0x2a: {  	[tilespmem:s15+$0x5020] =	vst v5  }
0x2b: {  	v4 =	vmul.f32 $1.250000000e-01, v4;
	[tilespmem:s15+$0x5060] =	vst v5  }
0x2c: {  	v3 =	vmul.f32 $1.250000000e-01, v6;
	[tilespmem:s15+$0x5030] =	vst v0;
	s15 =	smov.u32 s14  }
0x2d: {  	s14 =	sshra.s32 s16, $0x2;
	s16 =	sadd.s32 $0x200, s16;
	v2 =	vmul.f32 $1.250000000e-01, v7;
	[tilespmem:s15+$0x5070] =	vst v4;
	v0 =	vmov v4  }
0x2e: {  	v4 =	vld [tilespmem:s14+$0x30];
	[tilespmem:s15+$0x5000] =	vst v3  }
0x2f: {  	v5 =	vld [tilespmem:s14+$0x0];
	[tilespmem:s15+$0x5040] =	vst v3  }
0x30: {  	v1 =	vmul.f32 $1.250000000e-01, v1;
	v3 =	vld [tilespmem:s14+$0x10];
	[tilespmem:s15+$0x5010] =	vst v2  }
0x31: {  	v6 =	vld [tilespmem:s14+$0x20];
	[tilespmem:s15+$0x5050] =	vst v2  }
0x32: {  	[tilespmem:s15+$0x5020] =	vst v1  }
0x33: {  	[tilespmem:s15+$0x5060] =	vst v1;
	v60 =	vmul.f32 $1.250000000e-01, v4  }
0x34: {  	[tilespmem:s15+$0x5030] =	vst v0  }
0x35: {  	v61 =	vmul.f32 $1.250000000e-01, v5;
	[tilespmem:s14+$0x5070] =	vst v60  }
0x36: {  	[tilespmem:s14+$0x5030] =	vst v60  }
0x37: {  	v62 =	vmul.f32 $1.250000000e-01, v3;
	[tilespmem:s14+$0x5000] =	vst v61  }
0x38: {  	[tilespmem:s14+$0x5040] =	vst v61  }
0x39: {  	v63 =	vmul.f32 $1.250000000e-01, v6;
	[tilespmem:s14+$0x5010] =	vst v62  }
0x3a: {  	[tilespmem:s14+$0x5050] =	vst v62  }
0x3b: {  	[tilespmem:s14+$0x5020] =	vst v63  }
.Ltmp6:
0x3c: {  	s13 =	sadd.s32 s5, s13;
	[tilespmem:s14+$0x5060] =	vst v63;
	(pc) =	sbr.rel .LBB2_6-.Ltmp6, $4  }
0x3d: {  	[hbm4b:s13+s1] =	stream.linear.scatter [tilespmem:s9], [sflag:$0x2], $0x5000, $0x38;
	[tilespmem:$0xA000] =	vst v63  }
0x3e: {  	_ =	swait.ge [sflag:s10], $0x5000  }
0x3f: {  	[sflag:s10] =	ssyncset.done $0x0  }
0x40: {  	[sflag:s10] =	ssyncadd.s32 $0xFFFFB000  }
.LBB2_8:
0x41: {  	_ =	sfence.sel $0x180000  }
0x42: {  	[bflag:$0x0] =	sbarrier.arrive $0xFFFF  }
0x43: {  	p0 =	sne.s32 s3, $0x0;
	_ =	strace $0x90000047  }
0x44: {  	s0 =	sadd.s32 @!p0 $0x100000, s0;
	[bflag:$0x2] =	sbarrier.arrive $0xFFFF  }
0x45: {  	[sflag:s0] =	ssyncadd.tile.s32 @!p0 $0x1;
	_ =	shalt  }
.Lfunc_end2:
_tile_overlayer_lowered:
.L_overlay_start_2:
0x46: {  	(tag) =	ssettag $0x2  }
0x47: {  	s0 =	rddreg [dreg:$0x0];
	s2 =	stileid.u32  }
0x48: {  	s1 =	rddreg [dreg:$0x1];
	p0 =	sne.s32 s2, $0x0  }
0x49: {  	s3 =	rddreg [dreg:$0x2];
	[bflag:$0x3] =	sbarrier.arrive $0xFFFF;
	s2 =	simm.s32 @!p0 $0x1C03  }
0x4a: {  	[timem:s3], [sflag:s2] =	dma.local @!p0 [hbm:s0], s1  }
0x4b: {  	s0 =	simm.s32 @!p0 $0x3  }
0x4c: {  	_ =	swait.ge @!p0 [sflag:s0], s1  }
0x4d: {  	s1 =	ssub.s32 @!p0 $0x0, s1;
	[sflag:s0] =	ssyncset.done @!p0 $0x0  }
0x4e: {  	[sflag:s0] =	ssyncadd.s32 @!p0 s1  }
0x4f: {  	[bflag:$0x3] =	sbarrier.arrive $0xFFFF  }
0x50: {  	_ =	shalt  }

// kernel: _embed.7.cloned.1.call-start
scs
__scs_entry_jumppad:
0x0: {  	(pc) =	sbr.rel $0x88, $3  }
0x1: {  	(tag) =	ssettag $0x0;
	lr =	simm.s32 $0x1  }
0x2: {  	[smem:$0x3F9F] =	sst lr;
	_ =	strace $0xD0000000  }
0x3: {  	_ = 	snop  }
0x4: {  	_ = 	snop  }
0x5: {  	_ = 	snop  }
0x6: {  	_ = 	snop  }
0x7: {  	_ = 	snop  }
__scs_overlays_trampoline_lowered:
0x8: {  	[smem:$0x3FAE] =	sst s0  }
0x9: {  	[smem:$0x3FAF] =	sst s1  }
0xa: {  	[smem:$0x3FB0] =	sst s2  }
0xb: {  	[smem:$0x3FB1] =	sst s3  }
0xc: {  	[smem:$0x3FB2] =	sst s4  }
0xd: {  	[smem:$0x3FB3] =	sst s5  }
0xe: {  	[smem:$0x3FB4] =	sst s6  }
0xf: {  	[smem:$0x3FB5] =	sst s7  }
0x10: {  	[smem:$0x3FB6] =	sst s8  }
0x11: {  	[smem:$0x3FB7] =	sst s9;
	s0 =	simm.s32 @!p0 $0x0  }
0x12: {  	s1 =	sld [smem:$0x3F9D];
	s0 =	simm.s32 @p0 $0x1  }
0x13: {  	[smem:$0x3FB8] =	sst s0;
	s0 =	simm.s32 @!p1 $0x0  }
0x14: {  	s2 =	sld [smem:$0x3F9C];
	s0 =	simm.s32 @p1 $0x1  }
0x15: {  	[smem:$0x3FB9] =	sst s0;
	s0 =	simm.s32 @!p2 $0x0  }
0x16: {  	s3 =	sld [smem:$0x3FDB];
	s0 =	simm.s32 @p2 $0x1  }
0x17: {  	s4 =	simm.s32 $0x1BF5;
	[smem:$0x3FBB] =	sst s0  }
0x18: {  	s0 =	sld [smem:$0x3F9E];
	_ =	swait.ge [sflag:s4], $0x0  }
0x19: {  	s7 =	sld [smem:$0x3F9F]  }
0x1a: {  	s8 =	sadd.s32 $0xFFFFE003, lr  }
0x1b: {  	s9 =	sadd.s32 $0xFFFFFEF7, lr;
	s5 =	simm.s32 $0xFFFFFFFF;
	p2 =	slt.u32 s8, $0xFFFFF086  }
0x1c: {  	p1 =	slt.u32 s9, $0xF7A;
	s5 =	simm.s32 @!p2 $0x0  }
0x1d: {  	s5 =	simm.s32 @p1 $0x1;
	p0 =	seq.s32 s7, s2  }
0x1e: {  	s7 =	smul.u32 @!p0 $0xF7A, s2;
	p2 =	seq.s32 @!p0 s5, $0x0  }
0x1f: {  	s9 =	smul.u32 $0xF7A, s1;
	s8 =	simm.s32 @!p0 $0x1BF5;
	p2 =	por !p2, p0  }
0x20: {  	[sflag:s8] =	ssyncset.s32 @!p0 $0xFFFFF086;
	s6 =	sadd.s32 @!p0 s3, s7;
	s7 =	simm.s32 @!p0 $0x108  }
0x21: {  	s3 =	sadd.s32 s3, s9;
	s6 =	sadd.s32 @!p0 $0x88, s6;
	s7 =	simm.s32 @p2 $0x1082  }
0x22: {  	[simem:s7], [sflag:s8] =	dma.local @!p0 [hbm:s6], $0xF7A  }
0x23: {  	s9 =	sor.u32 $0xD0000000, s2;
	s6 =	simm.s32 $0x108;
	_ =	swait.ge @!p0 [sflag:s8], $0x0  }
0x24: {  	s3 =	sadd.s32 $0x88, s3;
	s6 =	simm.s32 @!p1 $0x1082;
	[sflag:s4] =	ssyncset.s32 $0xFFFFF086  }
0x25: {  	[simem:s6], [sflag:s4] =	dma.local [hbm:s3], $0xF7A  }
0x26: {  	[smem:$0x3F9F] =	sst s1;
	(tag) =	ssettag s2;
	_ =	strace s9  }
0x27: {  	s1 =	sld [smem:$0x3FAF]  }
0x28: {  	s2 =	sld [smem:$0x3FB0]  }
0x29: {  	s4 =	sld [smem:$0x3FB2]  }
0x2a: {  	p0 =	seq.s32 s5, $0x0;
	s5 =	sld [smem:$0x3FB3]  }
0x2b: {  	s6 =	sld [smem:$0x3FB4]  }
0x2c: {  	s7 =	sld [smem:$0x3FB5]  }
0x2d: {  	s3 =	simm.s32 $0x108;
	s8 =	sld [smem:$0x3FB6]  }
0x2e: {  	s3 =	simm.s32 @!p0 $0x1082;
	s9 =	sld [smem:$0x3FB7]  }
0x2f: {  	lr =	sadd.s32 s0, s3;
	s0 =	sld [smem:$0x3FAE]  }
0x30: {  	s3 =	sld [smem:$0x3FB1]  }
0x31: {  	[smem:$0x3FBA] =	sst s10  }
0x32: {  	s10 =	sld [smem:$0x3FB8];
	_ =	sdelay $0x3  }
0x33: {  	p0 =	seq.s32 s10, $0x1;
	s10 =	sld [smem:$0x3FBA];
	_ =	sdelay $0x3  }
0x34: {  	[smem:$0x3FBA] =	sst s10  }
0x35: {  	s10 =	sld [smem:$0x3FB9];
	_ =	sdelay $0x3  }
0x36: {  	p1 =	seq.s32 s10, $0x1;
	s10 =	sld [smem:$0x3FBA];
	_ =	sdelay $0x3  }
0x37: {  	[smem:$0x3FBA] =	sst s10  }
0x38: {  	s10 =	sld [smem:$0x3FBB]  }
0x39: {  	_ = 	snop;
	(pc) =	sbr.ind lr, $3  }
0x3a: {  	_ = 	snop  }
0x3b: {  	_ = 	snop  }
0x3c: {  	p2 =	seq.s32 s10, $0x1;
	s10 =	sld [smem:$0x3FBA]  }
0x3d: {  	_ =	shalt  }
0x3e: {  	_ =	shalt  }
0x3f: {  	_ =	shalt  }
0x40: {  	_ =	shalt  }
0x41: {  	_ =	shalt  }
0x42: {  	_ =	shalt  }
0x43: {  	_ =	shalt  }
0x44: {  	_ =	shalt  }
0x45: {  	_ =	shalt  }
0x46: {  	_ =	shalt  }
0x47: {  	_ =	shalt  }
0x48: {  	_ =	shalt  }
0x49: {  	_ =	shalt  }
0x4a: {  	_ =	shalt  }
0x4b: {  	_ =	shalt  }
0x4c: {  	_ =	shalt  }
0x4d: {  	_ =	shalt  }
0x4e: {  	_ =	shalt  }
0x4f: {  	_ =	shalt  }
0x50: {  	_ =	shalt  }
0x51: {  	_ =	shalt  }
0x52: {  	_ =	shalt  }
0x53: {  	_ =	shalt  }
0x54: {  	_ =	shalt  }
0x55: {  	_ =	shalt  }
0x56: {  	_ =	shalt  }
0x57: {  	_ =	shalt  }
0x58: {  	_ =	shalt  }
0x59: {  	_ =	shalt  }
0x5a: {  	_ =	shalt  }
0x5b: {  	_ =	shalt  }
0x5c: {  	_ =	shalt  }
0x5d: {  	_ =	shalt  }
0x5e: {  	_ =	shalt  }
0x5f: {  	_ =	shalt  }
0x60: {  	_ =	shalt  }
0x61: {  	_ =	shalt  }
0x62: {  	_ =	shalt  }
0x63: {  	_ =	shalt  }
0x64: {  	_ =	shalt  }
0x65: {  	_ =	shalt  }
0x66: {  	_ =	shalt  }
0x67: {  	_ =	shalt  }
0x68: {  	_ =	shalt  }
0x69: {  	_ =	shalt  }
0x6a: {  	_ =	shalt  }
0x6b: {  	_ =	shalt  }
0x6c: {  	_ =	shalt  }
0x6d: {  	_ =	shalt  }
0x6e: {  	_ =	shalt  }
0x6f: {  	_ =	shalt  }
0x70: {  	_ =	shalt  }
0x71: {  	_ =	shalt  }
0x72: {  	_ =	shalt  }
0x73: {  	_ =	shalt  }
0x74: {  	_ =	shalt  }
0x75: {  	_ =	shalt  }
0x76: {  	_ =	shalt  }
0x77: {  	_ =	shalt  }
0x78: {  	_ =	shalt  }
0x79: {  	_ =	shalt  }
0x7a: {  	_ =	shalt  }
0x7b: {  	_ =	shalt  }
0x7c: {  	_ =	shalt  }
0x7d: {  	_ =	shalt  }
0x7e: {  	_ =	shalt  }
0x7f: {  	_ =	shalt  }
0x80: {  	_ =	shalt  }
0x81: {  	_ =	shalt  }
0x82: {  	_ =	shalt  }
0x83: {  	_ =	shalt  }
0x84: {  	_ =	shalt  }
0x85: {  	_ =	shalt  }
0x86: {  	_ =	shalt  }
0x87: {  	_ =	shalt  }
.Lfunc_end0:
.L_simem_size_0:
called_computation.2_lowered:
.L_overlay_start_0:
0x88: {  	s2 =	sld [smem:$0x3FD9]  }
0x89: {  	s3 =	sld [smem:$0x3FFE];
	_ =	sdelay $0x1  }
0x8a: {  	s1 =	srdreg.scid  }
0x8b: {  	s0 =	sand.u32 $0x1, s1  }
0x8c: {  	s17 =	sshll.u32 s0, $0xA;
	s2 =	sadd.s32 s3, s2  }
0x8d: {  	s2 =	sadd.s32 s2, s17  }
0x8e: {  	[smem:$0x3FC6] =	sst s2  }
0x8f: {  	_ = 	snop  }
0x90: {  	s2 =	sld [smem:$0x3FD0];
	(tm) =	ssettm $0x1  }
0x91: {  	s18 =	sld [smem:$0x3FFB];
	_ =	sdelay $0x3  }
0x92: {  	_ =	strace s18  }
0x93: {  	s3 =	sld [smem:$0x3FFC];
	_ =	sdelay $0x3  }
0x94: {  	_ =	strace s3  }
0x95: {  	s3 =	sld [smem:$0x3FFD];
	_ =	sdelay $0x3  }
0x96: {  	_ =	strace s3  }
0x97: {  	_ =	strace $0x8FFFFFFF  }
0x98: {  	s19 =	sld [smem:$0x3FDB];
	_ =	sdelay $0x1  }
0x99: {  	s4 =	simm.s32 $_scs_section_size  }
0x9a: {  	s5 =	simm.s32 $_size__tile_overlayer_lowered;
	s6 =	simm.s32 $_tile_overlayer_lowered  }
0x9b: {  	s22 =	simm.s32 $0x1BFF;
	s21 =	sshll.u32 s6, $0x1;
	s3 =	sadd.s32 s4, s19  }
0x9c: {  	s7 =	simm.s32 $0x0;
	s20 =	sshll.u32 s5, $0x1;
	s5 =	sadd.s32 s21, s3  }
0x9d: {  	[timem:s7], [sflag:s22] =	dma.local [hbm:s5], s20  }
0x9e: {  	_ =	swait.ge [sflag:s22], s20  }
0x9f: {  	s4 =	ssub.s32 $0x0, s20;
	[sflag:s22] =	ssyncset.done $0x0  }
0xa0: {  	[sflag:s22] =	ssyncadd.s32 s4;
	_ =	sdelay $0x1  }
0xa1: {  	s23 =	simm.s32 $0x1B8B  }
0xa2: {  	_ =	swait.ge [sflag:s23], $0x1  }
0xa3: {  	[sflag:s23] =	ssyncset.done $0x0  }
0xa4: {  	s25 =	simm.s32 $0x1B8E;
	s24 =	sld [smem:$0x3FFE];
	[sflag:s23] =	ssyncadd.s32 $0xFFFFFFFF  }
0xa5: {  	s26 =	simm.s32 $execute0_lowered;
	[smem:$0x3FD2] =	sst s25  }
0xa6: {  	s5 =	sshll.u32 s26, $0x1;
	_ =	strace $0x80000049;
	[dreg:$0x1] =	wrdreg $0xFFFFFFFF  }
0xa7: {  	s28 =	simm.s32 $_size_execute0_lowered;
	s3 =	sadd.s32 s3, s5;
	[dreg:$0x0] =	wrdreg $0x0  }
0xa8: {  	s5 =	sshll.u32 s28, $0x1;
	[dreg:$0x2] =	wrdreg s3  }
0xa9: {  	[dreg:$0x3] =	wrdreg s5  }
0xaa: {  	[dreg:$0x4] =	wrdreg $0xC0  }
0xab: {  	_ =	task [dreg:s7], $0x5FFFF  }
0xac: {  	[dreg:$0x1] =	wrdreg $0xFFFFFFFF  }
0xad: {  	[dreg:$0x0] =	wrdreg $0x60  }
0xae: {  	[dreg:$0x2] =	wrdreg s24  }
0xaf: {  	[dreg:$0x3] =	wrdreg s2  }
0xb0: {  	[dreg:$0x4] =	wrdreg $0x9  }
0xb1: {  	_ =	task.clear_ibuf [dreg:s7], $0x5FFFF;
	_ =	strace $0x90000049  }
0xb2: {  	s29 =	simm.s32 $0x9;
	_ =	strace $0x8000004B  }
0xb3: {  	_ =	swait.ge [sflag:s29], $0x1  }
0xb4: {  	[sflag:s29] =	ssyncadd.s32 $0xFFFFFFFF  }
0xb5: {  	_ =	strace $0x9000004B  }
0xb6: {  	_ =	sfence  }
0xb7: {  	s30 =	sld [smem:$0x0];
	_ =	sdelay $0x2  }
0xb8: {  	s31 =	sshll.u32 s1, $0xD;
	s1 =	sshrl.u32 s1, $0x2  }
0xb9: {  	s3 =	sand.u32 $0x4000, s31;
	s1 =	sadd.s32 s1, s30  }
0xba: {  	s0 =	sor.u32 s3, s0;
	s1 =	sshll.u32 s1, $0x11  }
0xbb: {  	s0 =	sor.u32 s1, s0  }
0xbc: {  	s0 =	sadd.s32 $0x8F2B, s0  }
0xbd: {  	[sflag:s0] =	ssyncadd.remote.s32 $0x1  }
0xbe: {  	_ =	sfence.sel $0xFFFF  }
0xbf: {  	[dreg:$0x0] =	wrdreg $0xFFFFFFFF;
	(pc) =	sbr.abs _section_cstart, $3  }
0xc0: {  	[dreg:$0x1] =	wrdreg $0xFFFFFFFF  }
0xc1: {  	_ =	task.clear_ibuf [dreg:s7], $0x2FFFF;
	_ =	strace $0x9FFFFFFF  }
0xc2: {  	(tm) =	ssettm $0x7FFFFFFF  }
0xc3: {  	_ =	shalt  }
tec
execute0_lowered:
.L_overlay_start_1:
0x0: {  	(tag) =	ssettag $0x1  }
0x1: {  	s4 =	rddreg [dreg:$0x0]  }
0x2: {  	s5 =	rddreg [dreg:$0x1];
	s2 =	simm.s32 $0x0;
	s3 =	srdreg.scid  }
0x3: {  	s1 =	stileid.u32;
	s13 =	simm.s32 $0x6400;
	s14 =	simm.s32 $0xA400  }
0x4: {  	s15 =	simm.s32 $0x1;
	s16 =	simm.s32 $0x100;
	s17 =	simm.s32 $0xE400  }
0x5: {  	s18 =	simm.s32 $0x2;
	s19 =	simm.s32 $0x180;
	s20 =	simm.s32 $0x12400  }
0x6: {  	s21 =	simm.s32 $0x3;
	s22 =	simm.s32 $0x5;
	s23 =	simm.s32 $0x4  }
0x7: {  	s28 =	simm.s32 $0x0;
	[smem:$0x7FF] =	sst s2;
	s6 =	sand.u32 $0x1, s3  }
0x8: {  	s24 =	sshll.u32 s1, $0x1;
	s3 =	sadd.s32 $0xF43200, s4;
	s30 =	smul.u32 $0xC8000, s1  }
0x9: {  	s10 =	sadd.s32 $0xE00, s4;
	s7 =	sor.u32 s6, s24;
	s31 =	smul.u32 $0x64000, s6  }
0xa: {  	_ =	strace $0x8000004A;
	s8 =	ssub.s32 $0x2, s6;
	s9 =	smul.u32 $0x6400, s7  }
0xb: {  	s24 =	simm.s32 $0x6;
	s25 =	sshrl.u32 s8, $0x1;
	s11 =	smul.u32 $0x320000, s7  }
0xc: {  	s7 =	smul.u32 $0x64000, s7;
	s12 =	ssub.s32 s8, s25;
	s25 =	simm.s32 $0x7  }
0xd: {  	s26 =	sshrl.u32 s9, $0x3;
	s29 =	sshrl.u32 s11, $0x3;
	s9 =	smax.u32 s12, $0x1  }
0xe: {  	s11 =	simm.s32 $0x9;
	s12 =	simm.s32 $0x80;
	s4 =	sadd.s32 s5, s26  }
0xf: {  	s5 =	sadd.s32 s10, s7;
	s8 =	sadd.s32 s10, s29;
	s10 =	sadd.s32 s30, s10  }
0x10: {  	s26 =	simm.s32 $0x8;
	s6 =	sadd.s32 $0x800, s5;
	s10 =	sadd.s32 s31, s10  }
0x11: {  	s7 =	sadd.s32 $0x63000, s8;
	s8 =	sadd.s32 $0x63800, s8;
	s10 =	sadd.s32 $0x1800, s10  }
.LBB2_1:
0x12: {  	[tilespmem:s2], [sflag:$0x9] =	stream.linear.gather [hbm4b:s4+s2], $0x6400, $0x38;
	[tilespmem:$0x16400] =	vst v63  }
0x13: {  	_ =	swait.ge [sflag:s11], $0x6400  }
0x14: {  	[sflag:s11] =	ssyncset.done $0x0  }
0x15: {  	[sflag:s11] =	ssyncadd.s32 $0xFFFF9C00  }
0x16: {  	[tilespmem:s13], [sflag:$0x1] =	stream.indirect.gather [hbm4b:s3+s12], $0x80, s2, s12, $0xb8;
	[tilespmem:$0x16400] =	vst v63  }
0x17: {  	_ = 	snop  }
0x18: {  	[tilespmem:s14], [sflag:$0x2] =	stream.indirect.gather [hbm4b:s3+s12], $0x80, s12, s12, $0xb8;
	[tilespmem:$0x16400] =	vst v63  }
0x19: {  	_ =	swait.ge [sflag:s15], $0x4000  }
0x1a: {  	[sflag:s15] =	ssyncset.done $0x0  }
0x1b: {  	[sflag:s15] =	ssyncadd.s32 $0xFFFFC000  }
0x1c: {  	[hbm4b:s5+s2] =	stream.linear.scatter [tilespmem:s13], [sflag:$0x5], $0x4000, $0x38;
	[tilespmem:$0x16400] =	vst v63  }
0x1d: {  	_ = 	snop  }
0x1e: {  	[tilespmem:s17], [sflag:$0x3] =	stream.indirect.gather [hbm4b:s3+s12], $0x80, s16, s12, $0xb8;
	[tilespmem:$0x16400] =	vst v63  }
0x1f: {  	_ =	swait.ge [sflag:s18], $0x4000  }
0x20: {  	[sflag:s18] =	ssyncset.done $0x0  }
0x21: {  	[sflag:s18] =	ssyncadd.s32 $0xFFFFC000  }
0x22: {  	[hbm4b:s6+s2] =	stream.linear.scatter [tilespmem:s14], [sflag:$0x6], $0x4000, $0x38;
	[tilespmem:$0x16400] =	vst v63  }
0x23: {  	_ = 	snop  }
0x24: {  	[tilespmem:s20], [sflag:$0x4] =	stream.indirect.gather [hbm4b:s3+s12], $0x80, s19, s12, $0xb8;
	[tilespmem:$0x16400] =	vst v63  }
0x25: {  	_ =	swait.ge [sflag:s21], $0x4000  }
0x26: {  	[sflag:s21] =	ssyncset.done $0x0  }
0x27: {  	s29 =	sadd.s32 $0xFFFFF800, s10;
	[sflag:s21] =	ssyncadd.s32 $0xFFFFC000  }
0x28: {  	[hbm4b:s29+s2] =	stream.linear.scatter [tilespmem:s17], [sflag:$0x7], $0x4000, $0x38;
	[tilespmem:$0x16400] =	vst v63  }
0x29: {  	_ =	swait.ge [sflag:s22], $0x4000  }
0x2a: {  	[sflag:s22] =	ssyncset.done $0x0  }
0x2b: {  	s29 =	simm.s32 $0x200;
	[sflag:s22] =	ssyncadd.s32 $0xFFFFC000  }
0x2c: {  	[tilespmem:s13], [sflag:$0x1] =	stream.indirect.gather [hbm4b:s3+s12], $0x80, s29, s12, $0xb8;
	[tilespmem:$0x16400] =	vst v63  }
0x2d: {  	_ =	swait.ge [sflag:s23], $0x4000  }
0x2e: {  	[sflag:s23] =	ssyncset.done $0x0  }
0x2f: {  	[sflag:s23] =	ssyncadd.s32 $0xFFFFC000  }
0x30: {  	[hbm4b:s10+s2] =	stream.linear.scatter [tilespmem:s20], [sflag:$0x8], $0x4000, $0x38;
	[tilespmem:$0x16400] =	vst v63  }
0x31: {  	_ =	swait.ge [sflag:s24], $0x4000  }
0x32: {  	[sflag:s24] =	ssyncset.done $0x0  }
0x33: {  	s29 =	simm.s32 $0x280;
	[sflag:s24] =	ssyncadd.s32 $0xFFFFC000  }
0x34: {  	[tilespmem:s14], [sflag:$0x2] =	stream.indirect.gather [hbm4b:s3+s12], $0x80, s29, s12, $0xb8;
	[tilespmem:$0x16400] =	vst v63  }
0x35: {  	_ =	swait.ge [sflag:s15], $0x4000  }
0x36: {  	[sflag:s15] =	ssyncset.done $0x0  }
0x37: {  	s29 =	sadd.s32 $0x800, s10;
	[sflag:s15] =	ssyncadd.s32 $0xFFFFC000  }
0x38: {  	[hbm4b:s29+s2] =	stream.linear.scatter [tilespmem:s13], [sflag:$0x5], $0x4000, $0x38;
	[tilespmem:$0x16400] =	vst v63  }
0x39: {  	_ =	swait.ge [sflag:s25], $0x4000  }
0x3a: {  	[sflag:s25] =	ssyncset.done $0x0  }
0x3b: {  	s29 =	simm.s32 $0x300;
	[sflag:s25] =	ssyncadd.s32 $0xFFFFC000  }
0x3c: {  	[tilespmem:s17], [sflag:$0x3] =	stream.indirect.gather [hbm4b:s3+s12], $0x80, s29, s12, $0xb8;
	[tilespmem:$0x16400] =	vst v63  }
0x3d: {  	_ =	swait.ge [sflag:s18], $0x4000  }
0x3e: {  	[sflag:s18] =	ssyncset.done $0x0  }
0x3f: {  	s29 =	sadd.s32 $0x1000, s10;
	[sflag:s18] =	ssyncadd.s32 $0xFFFFC000  }
0x40: {  	[hbm4b:s29+s2] =	stream.linear.scatter [tilespmem:s14], [sflag:$0x6], $0x4000, $0x38;
	[tilespmem:$0x16400] =	vst v63  }
0x41: {  	_ =	swait.ge [sflag:s26], $0x4000  }
0x42: {  	s31 =	simm.s32 $0x380;
	[sflag:s26] =	ssyncset.done $0x0  }
0x43: {  	s30 =	sadd.s32 $0x2000, s10;
	s29 =	simm.s32 $0x800;
	[sflag:s26] =	ssyncadd.s32 $0xFFFFC000  }
.LBB2_2:
0x44: {  	[tilespmem:s20], [sflag:$0x4] =	stream.indirect.gather [hbm4b:s3+s12], $0x80, s31, s12, $0xb8;
	[tilespmem:$0x16400] =	vst v63  }
0x45: {  	s31 =	smov.u32 s29  }
0x46: {  	p0 =	sne.s32 s29, $0x18000;
	s29 =	sadd.s32 $0x800, s29;
	_ =	swait.ge [sflag:s21], $0x4000  }
0x47: {  	[sflag:s21] =	ssyncset.done $0x0  }
0x48: {  	s0 =	sadd.s32 $0xFFFFF800, s30;
	[sflag:s21] =	ssyncadd.s32 $0xFFFFC000  }
0x49: {  	[hbm4b:s0+s2] =	stream.linear.scatter [tilespmem:s17], [sflag:$0x7], $0x4000, $0x38;
	[tilespmem:$0x16400] =	vst v63  }
0x4a: {  	_ =	swait.ge [sflag:s22], $0x4000  }
0x4b: {  	s0 =	sshra.s32 s31, $0x2;
	[sflag:s22] =	ssyncset.done $0x0  }
0x4c: {  	s31 =	sadd.s32 $0x200, s0;
	[sflag:s22] =	ssyncadd.s32 $0xFFFFC000  }
0x4d: {  	[tilespmem:s13], [sflag:$0x1] =	stream.indirect.gather [hbm4b:s3+s12], $0x80, s31, s12, $0xb8;
	[tilespmem:$0x16400] =	vst v63  }
0x4e: {  	_ =	swait.ge [sflag:s23], $0x4000  }
0x4f: {  	[sflag:s23] =	ssyncset.done $0x0  }
0x50: {  	[sflag:s23] =	ssyncadd.s32 $0xFFFFC000  }
0x51: {  	[hbm4b:s30+s2] =	stream.linear.scatter [tilespmem:s20], [sflag:$0x8], $0x4000, $0x38;
	[tilespmem:$0x16400] =	vst v63  }
0x52: {  	_ =	swait.ge [sflag:s24], $0x4000  }
0x53: {  	[sflag:s24] =	ssyncset.done $0x0  }
0x54: {  	s31 =	sadd.s32 $0x280, s0;
	[sflag:s24] =	ssyncadd.s32 $0xFFFFC000  }
0x55: {  	[tilespmem:s14], [sflag:$0x2] =	stream.indirect.gather [hbm4b:s3+s12], $0x80, s31, s12, $0xb8;
	[tilespmem:$0x16400] =	vst v63  }
0x56: {  	_ =	swait.ge [sflag:s15], $0x4000  }
0x57: {  	[sflag:s15] =	ssyncset.done $0x0  }
0x58: {  	s31 =	sadd.s32 $0x800, s30;
	[sflag:s15] =	ssyncadd.s32 $0xFFFFC000  }
0x59: {  	[hbm4b:s31+s2] =	stream.linear.scatter [tilespmem:s13], [sflag:$0x5], $0x4000, $0x38;
	[tilespmem:$0x16400] =	vst v63  }
0x5a: {  	_ =	swait.ge [sflag:s25], $0x4000  }
0x5b: {  	[sflag:s25] =	ssyncset.done $0x0  }
0x5c: {  	s31 =	sadd.s32 $0x300, s0;
	[sflag:s25] =	ssyncadd.s32 $0xFFFFC000  }
0x5d: {  	[tilespmem:s17], [sflag:$0x3] =	stream.indirect.gather [hbm4b:s3+s12], $0x80, s31, s12, $0xb8;
	[tilespmem:$0x16400] =	vst v63  }
0x5e: {  	_ =	swait.ge [sflag:s18], $0x4000  }
0x5f: {  	[sflag:s18] =	ssyncset.done $0x0  }
.Ltmp0:
0x60: {  	s31 =	sadd.s32 $0x1000, s30;
	[sflag:s18] =	ssyncadd.s32 $0xFFFFC000;
	(pc) =	sbr.rel @p0 .LBB2_2-.Ltmp0, $4  }
0x61: {  	[hbm4b:s31+s2] =	stream.linear.scatter [tilespmem:s14], [sflag:$0x6], $0x4000, $0x38;
	[tilespmem:$0x16400] =	vst v63  }
0x62: {  	_ =	swait.ge [sflag:s26], $0x4000  }
0x63: {  	[sflag:s26] =	ssyncset.done $0x0  }
0x64: {  	s30 =	sadd.s32 $0x2000, s30;
	s31 =	sadd.s32 $0x380, s0;
	[sflag:s26] =	ssyncadd.s32 $0xFFFFC000  }
0x65: {  	[tilespmem:s20], [sflag:$0x4] =	stream.indirect.gather [hbm4b:s3+s12], $0x80, s31, s12, $0xb8;
	[tilespmem:$0x16400] =	vst v63  }
0x66: {  	_ =	swait.ge [sflag:s21], $0x4000  }
0x67: {  	[sflag:s21] =	ssyncset.done $0x0  }
0x68: {  	[sflag:s21] =	ssyncadd.s32 $0xFFFFC000  }
0x69: {  	[hbm4b:s7+s2] =	stream.linear.scatter [tilespmem:s17], [sflag:$0x7], $0x4000, $0x38;
	[tilespmem:$0x16400] =	vst v63  }
0x6a: {  	_ =	swait.ge [sflag:s23], $0x4000  }
0x6b: {  	[sflag:s23] =	ssyncset.done $0x0  }
0x6c: {  	[sflag:s23] =	ssyncadd.s32 $0xFFFFC000  }
0x6d: {  	[hbm4b:s8+s2] =	stream.linear.scatter [tilespmem:s20], [sflag:$0x8], $0x4000, $0x38;
	[tilespmem:$0x16400] =	vst v63  }
0x6e: {  	_ =	swait.ge [sflag:s22], $0x4000  }
0x6f: {  	[sflag:s22] =	ssyncset.done $0x0  }
0x70: {  	[sflag:s22] =	ssyncadd.s32 $0xFFFFC000  }
0x71: {  	_ =	swait.ge [sflag:s24], $0x4000  }
0x72: {  	[sflag:s24] =	ssyncset.done $0x0  }
0x73: {  	s28 =	sadd.s32 $0x1, s28;
	[sflag:s24] =	ssyncadd.s32 $0xFFFFC000  }
0x74: {  	p0 =	sne.s32 s28, s9;
	_ =	swait.ge [sflag:s25], $0x4000  }
.Ltmp1:
0x75: {  	[sflag:s25] =	ssyncset.done $0x0;
	(pc) =	sbr.rel @p0 .LBB2_1-.Ltmp1, $4  }
0x76: {  	[sflag:s25] =	ssyncadd.s32 $0xFFFFC000  }
0x77: {  	_ =	swait.ge [sflag:s26], $0x4000  }
0x78: {  	[sflag:s26] =	ssyncset.done $0x0  }
0x79: {  	[sflag:s26] =	ssyncadd.s32 $0xFFFFC000  }
0x7a: {  	_ =	sfence.sel $0x180000  }
0x7b: {  	[bflag:$0x0] =	sbarrier.arrive $0xFFFF  }
0x7c: {  	_ =	strace $0x9000004A  }
0x7d: {  	[bflag:$0x2] =	sbarrier.arrive $0xFFFF  }
0x7e: {  	p0 =	sne.s32 s1, $0x0;
	s0 =	rddreg [dreg:$0x2]  }
0x7f: {  	s0 =	sadd.s32 @!p0 $0x100000, s0  }
0x80: {  	[sflag:s0] =	ssyncadd.tile.s32 @!p0 $0x1;
	_ =	shalt  }
.Lfunc_end2:
_tile_overlayer_lowered:
.L_overlay_start_2:
0x81: {  	(tag) =	ssettag $0x2  }
0x82: {  	s0 =	rddreg [dreg:$0x0];
	s2 =	stileid.u32  }
0x83: {  	s1 =	rddreg [dreg:$0x1];
	p0 =	sne.s32 s2, $0x0  }
0x84: {  	s3 =	rddreg [dreg:$0x2];
	[bflag:$0x3] =	sbarrier.arrive $0xFFFF;
	s2 =	simm.s32 @!p0 $0x1C09  }
0x85: {  	[timem:s3], [sflag:s2] =	dma.local @!p0 [hbm:s0], s1  }
0x86: {  	s0 =	simm.s32 @!p0 $0x9  }
0x87: {  	_ =	swait.ge @!p0 [sflag:s0], s1  }
0x88: {  	s1 =	ssub.s32 @!p0 $0x0, s1;
	[sflag:s0] =	ssyncset.done @!p0 $0x0  }
0x89: {  	[sflag:s0] =	ssyncadd.s32 @!p0 s1  }
0x8a: {  	[bflag:$0x3] =	sbarrier.arrive $0xFFFF  }
0x8b: {  	_ =	shalt  }

// kernel: sparse-core-data-format-call.cloned.1.call-start
scs
called_computation_lowered:
.L_overlay_start_0:
0x0: {  	s2 =	sld [smem:$0x3FD9]  }
0x1: {  	s3 =	sld [smem:$0x3FFE];
	_ =	sdelay $0x1  }
0x2: {  	s1 =	srdreg.scid  }
0x3: {  	s0 =	sand.u32 $0x1, s1  }
0x4: {  	s18 =	sshll.u32 s0, $0xA;
	s2 =	sadd.s32 s3, s2  }
0x5: {  	s2 =	sadd.s32 s2, s18  }
0x6: {  	[smem:$0x3FC6] =	sst s2  }
0x7: {  	_ = 	snop  }
0x8: {  	s2 =	sld [smem:$0x3FD0];
	(tm) =	ssettm $0x1  }
0x9: {  	s19 =	sld [smem:$0x3FFB];
	_ =	sdelay $0x3  }
0xa: {  	_ =	strace s19  }
0xb: {  	s3 =	sld [smem:$0x3FFC];
	_ =	sdelay $0x3  }
0xc: {  	_ =	strace s3  }
0xd: {  	s3 =	sld [smem:$0x3FFD];
	_ =	sdelay $0x3  }
0xe: {  	_ =	strace s3  }
0xf: {  	_ =	strace $0x8FFFFFFF  }
0x10: {  	s20 =	sld [smem:$0x3FDB];
	_ =	sdelay $0x1  }
0x11: {  	s4 =	simm.s32 $_scs_section_size  }
0x12: {  	s5 =	simm.s32 $_size__tile_overlayer_lowered;
	s6 =	simm.s32 $_tile_overlayer_lowered  }
0x13: {  	s23 =	simm.s32 $0x1BFF;
	s22 =	sshll.u32 s6, $0x1;
	s3 =	sadd.s32 s4, s20  }
0x14: {  	s7 =	simm.s32 $0x0;
	s21 =	sshll.u32 s5, $0x1;
	s5 =	sadd.s32 s22, s3  }
0x15: {  	[timem:s7], [sflag:s23] =	dma.local [hbm:s5], s21  }
0x16: {  	_ =	swait.ge [sflag:s23], s21  }
0x17: {  	s4 =	ssub.s32 $0x0, s21;
	[sflag:s23] =	ssyncset.done $0x0  }
0x18: {  	[sflag:s23] =	ssyncadd.s32 s4;
	_ =	sdelay $0x1  }
0x19: {  	s24 =	simm.s32 $0x1B8B  }
0x1a: {  	_ =	swait.ge [sflag:s24], $0x1  }
0x1b: {  	[sflag:s24] =	ssyncset.done $0x0  }
0x1c: {  	s26 =	simm.s32 $0x1B8E;
	s25 =	sld [smem:$0x3FFE];
	[sflag:s24] =	ssyncadd.s32 $0xFFFFFFFF  }
0x1d: {  	s27 =	simm.s32 $execute0_lowered;
	[smem:$0x3FD2] =	sst s26  }
0x1e: {  	s5 =	sshll.u32 s27, $0x1;
	_ =	strace $0x8000004C;
	[dreg:$0x1] =	wrdreg $0xFFFFFFFF  }
0x1f: {  	s28 =	simm.s32 $_size_execute0_lowered;
	s3 =	sadd.s32 s3, s5;
	[dreg:$0x0] =	wrdreg $0x0  }
0x20: {  	s5 =	sshll.u32 s28, $0x1;
	[dreg:$0x2] =	wrdreg s3  }
0x21: {  	[dreg:$0x3] =	wrdreg s5  }
0x22: {  	[dreg:$0x4] =	wrdreg $0xC0  }
0x23: {  	_ =	task [dreg:s7], $0x5FFFF  }
0x24: {  	[dreg:$0x1] =	wrdreg $0xFFFFFFFF  }
0x25: {  	[dreg:$0x0] =	wrdreg $0x60  }
0x26: {  	[dreg:$0x2] =	wrdreg s25  }
0x27: {  	[dreg:$0x3] =	wrdreg s2  }
0x28: {  	[dreg:$0x4] =	wrdreg $0x9  }
0x29: {  	_ =	task.clear_ibuf [dreg:s7], $0x5FFFF;
	_ =	strace $0x9000004C  }
0x2a: {  	s29 =	simm.s32 $0x9;
	_ =	strace $0x8000004E  }
0x2b: {  	_ =	swait.ge [sflag:s29], $0x1  }
0x2c: {  	[sflag:s29] =	ssyncadd.s32 $0xFFFFFFFF  }
0x2d: {  	_ =	strace $0x9000004E  }
0x2e: {  	_ =	sfence  }
0x2f: {  	s30 =	sld [smem:$0x0];
	_ =	sdelay $0x2  }
0x30: {  	s31 =	sshll.u32 s1, $0xD;
	s1 =	sshrl.u32 s1, $0x2  }
0x31: {  	s3 =	sand.u32 $0x4000, s31;
	s1 =	sadd.s32 s1, s30  }
0x32: {  	s0 =	sor.u32 s3, s0;
	s1 =	sshll.u32 s1, $0x11  }
0x33: {  	s0 =	sor.u32 s1, s0  }
0x34: {  	s0 =	sadd.s32 $0x8F2B, s0  }
0x35: {  	[sflag:s0] =	ssyncadd.remote.s32 $0x1  }
0x36: {  	_ =	sfence.sel $0xFFFF  }
0x37: {  	[dreg:$0x0] =	wrdreg $0xFFFFFFFF;
	(pc) =	sbr.abs _section_cstart, $3  }
0x38: {  	[dreg:$0x1] =	wrdreg $0xFFFFFFFF  }
0x39: {  	_ =	task.clear_ibuf [dreg:s7], $0x2FFFF;
	_ =	strace $0x9FFFFFFF  }
0x3a: {  	(tm) =	ssettm $0x7FFFFFFF  }
0x3b: {  	_ =	shalt  }
tec
execute0_lowered:
.L_overlay_start_1:
0x0: {  	(tag) =	ssettag $0x1  }
0x1: {  	s0 =	srdreg.scid  }
0x2: {  	s1 =	sshll.u32 s0, $0x4  }
0x3: {  	s0 =	stileid.u32;
	s1 =	sand.u32 $0x10, s1  }
0x4: {  	s1 =	sor.u32 s0, s1  }
0x5: {  	s6 =	rddreg [dreg:$0x0];
	s4 =	simm.s32 $0x1;
	s2 =	sshll.u32 s1, $0x7  }
0x6: {  	s7 =	simm.s32 $0x2;
	s12 =	simm.s32 $0x0;
	s1 =	ssub.s32 $0x1000, s2  }
0x7: {  	s8 =	simm.s32 $0x8000;
	s13 =	simm.s32 $0x0;
	s3 =	sand.u32 $0xF80, s1  }
0x8: {  	s9 =	simm.s32 $0x0;
	s5 =	sshrl.u32 s1, $0xC;
	p0 =	sne.s32 s3, $0x0  }
.Ltmp0:
0x9: {  	s1 =	rddreg [dreg:$0x2];
	s4 =	simm.s32 @!p0 $0x0;
	(pc) =	sbr.rel .LBB1_1-.Ltmp0, $4  }
0xa: {  	s11 =	simm.s32 $0x0;
	s3 =	rddreg [dreg:$0x1];
	s5 =	sadd.s32 s4, s5  }
0xb: {  	_ =	strace $0x8000004D;
	s4 =	simm.s32 $0x1;
	s5 =	smul.u32 $0xC8, s5  }
0xc: {  	s6 =	sadd.s32 $0xE00, s6;
	s10 =	smov.u32 s2;
	[sflag:s4] =	ssyncpa.u1 $0x0  }
0xd: {  	p0 =	por $0x0, $0x0;
	[sflag:s7] =	ssyncpa.u1 $0x0;
	s7 =	sor.u32 $0x1, s5  }
.LBB1_4:
0xe: {  	s16 =	sshll.u32 s13, $0x3;
	s17 =	sand.u32 $0x78, s13  }
0xf: {  	s30 =	sand.u32 $0x7E00, s13;
	s12 =	sshll.u32 s12, $0xF;
	s16 =	sand.u32 $0xC00, s16  }
0x10: {  	[tilespmem:s15+$0x810 ss:$0x81] =	vst.msk $0xffff, v2;
	s31 =	sand.u32 $0x7, s13;
	s16 =	sor.u32 s17, s16;
	s17 =	sadd.s32 s3, s30  }
0x11: {  	[tilespmem:s15+$0x1020 ss:$0x81] =	vst.msk $0xffff, v0;
	s13 =	sshll.u32 s31, $0x12;
	s12 =	sadd.s32 s12, s17;
	s16 =	sshrl.u32 s16, $0x3  }
0x12: {  	[tilespmem:s15+$0x0 ss:$0x81] =	vst.msk $0xffff, v1;
	s13 =	sor.u32 $0x400, s13;
	s12 =	sadd.s32 s16, s12  }
0x13: {  	[hbm4b:s12+s13] =	stream.strided.scatter [tilespmem:s14], [sflag:$0x2], $0x2000, s8, s13, $0x20;
	[tilespmem:$0x8080] =	vst v63  }
.LBB1_5:
0x14: {  	s14 =	sadd.s32 $0x1, s9  }
0x15: {  	s12 =	sadd.s32 $0x1000, s10;
	s16 =	smov.u32 s10;
	p2 =	sgt.s32 s14, $0xC7  }
0x16: {  	s16 =	smov.u32 @p2 s12  }
0x17: {  	s14 =	simm.s32 @p2 $0x0;
	p2 =	sgt.s32 s16, $0xFFF  }
0x18: {  	s16 =	smov.u32 @p2 s2;
	p2 =	sne.s32 s11, s7  }
.Ltmp1:
0x19: {  	p1 =	slt.u32 s11, $0x2;
	(pc) =	sbr.rel @!p2 .LBB1_6-.Ltmp1, $4  }
0x1a: {  	s15 =	simm.s32 @!p1 $0x2  }
0x1b: {  	s13 =	smov.u32 s10;
	p0 =	por !p0, !p0;
	_ =	swait.ge @!p1 [sflag:s15], $0x2000  }
0x1c: {  	s12 =	smov.u32 s9;
	[sflag:s15] =	ssyncset.done @!p1 $0x0;
	s9 =	smov.u32 s14  }
0x1d: {  	s11 =	sadd.s32 $0x1, s11;
	[sflag:s15] =	ssyncadd.s32 @!p1 $0xFFFFE000;
	s10 =	smov.u32 s16  }
.LBB1_1:
0x1e: {  	p1 =	sge.u32 s11, s5  }
0x1f: {  	s14 =	sand.u32 @!p1 $0x1FFFFFF, s9  }
0x20: {  	s15 =	smulhi.u32 @!p1 $0x147AE15, s14;
	_ =	sdelay $0x1  }
0x21: {  	s15 =	smul.u32 @!p1 $0xC8, s15  }
0x22: {  	s16 =	sxor.u32 @!p1 $0xFFFFFFFF, s11;
	s17 =	smul.u32 @!p1 $0xC80, s10  }
0x23: {  	s31 =	sadd.s32 $0xFFFFFFFF, s11;
	s16 =	sshll.u32 @!p1 s16, $0xD;
	s14 =	ssub.s32 @!p1 s14, s15  }
0x24: {  	s15 =	sand.u32 @!p1 $0x2000, s16;
	s16 =	sadd.s32 @!p1 s6, s17;
	s14 =	sshll.u32 @!p1 s14, $0x4  }
0x25: {  	s17 =	simm.s32 @!p1 $0x6400;
	s14 =	sadd.s32 @!p1 s14, s16;
	s16 =	simm.s32 @!p1 $0x40  }
0x26: {  	[tilespmem:s15], [sflag:$0x1] =	stream.strided.gather @!p1 [hbm4b:s14+s16], $0x2000, s17, s16, $0x38;
	[tilespmem:$0x8080] =	vst v63  }
0x27: {  	p1 =	sge.u32 s31, s5  }
.Ltmp2:
0x28: {  	_ = 	snop;
	(pc) =	sbr.rel @p1 .LBB1_5-.Ltmp2, $1  }
0x29: {  	_ =	sdelay $0x3  }
0x2a: {  	s14 =	simm.s32 $0x1  }
0x2b: {  	_ =	swait.ge [sflag:s4], $0x2000;
	s14 =	simm.s32 @!p0 $0x0  }
0x2c: {  	[sflag:s4] =	ssyncset.done $0x0;
	s15 =	sshll.u32 s14, $0xD  }
0x2d: {  	[sflag:s4] =	ssyncadd.s32 $0xFFFFE000;
	s18 =	sor.u32 $0x20, s15  }
0x2e: {  	s14 =	smul.u32 $0x8100, s14;
	v3 =	vld [tilespmem:s18+$0x10]  }
0x2f: {  	s30 =	sand.u32 $0x1, s11;
	v2 =	vld [tilespmem:s18+$0xFFFFFFF0]  }
0x30: {  	s15 =	smul.u32 $0x8100, s30;
	s14 =	sshrl.u32 s14, $0x2;
	v0 =	vld [tilespmem:s18+$0x0]  }
0x31: {  	v1 =	vld [tilespmem:s18+$0xFFFFFFE0];
	s16 =	sor.u32 $0x4000, s14  }
0x32: {  	s31 =	sshrl.u32 s15, $0x2;
	s15 =	sadd.s32 $0x0, s16  }
0x33: {  	s17 =	simm.s32 $0x4;
	s18 =	sadd.s32 $0x40, s18;
	s14 =	sor.u32 $0x4000, s31;
	[tilespmem:s15+$0x1830 ss:$0x81] =	vst.msk $0xffff, v3  }
.LBB1_3:
0x34: {  	v3 =	vld [tilespmem:s18+$0x10];
	p1 =	sne.s32 s17, $0x1FC;
	[tilespmem:s15+$0x810 ss:$0x81] =	vst.msk $0xffff, v2;
	s19 =	smov.u32 s17;
	s17 =	sadd.s32 $0x4, s17  }
.Ltmp3:
0x35: {  	v2 =	vld [tilespmem:s18+$0xFFFFFFF0];
	[tilespmem:s15+$0x1020 ss:$0x81] =	vst.msk $0xffff, v0;
	(pc) =	sbr.rel @p1 .LBB1_3-.Ltmp3, $4  }
0x36: {  	v0 =	vld [tilespmem:s18+$0x0];
	[tilespmem:s15+$0x0 ss:$0x81] =	vst.msk $0xffff, v1  }
0x37: {  	s15 =	sshra.s32 s19, $0x2;
	v1 =	vld [tilespmem:s18+$0xFFFFFFE0]  }
0x38: {  	s15 =	sadd.s32 s15, s16  }
0x39: {  	s18 =	sadd.s32 $0x40, s18;
	[tilespmem:s15+$0x1830 ss:$0x81] =	vst.msk $0xffff, v3  }
.Ltmp4:
0x3a: {  	_ = 	snop;
	(pc) =	sbr.rel .LBB1_4-.Ltmp4, $1  }
0x3b: {  	_ =	sdelay $0x3  }
.LBB1_6:
0x3c: {  	_ =	sfence.sel $0x180000  }
0x3d: {  	s2 =	simm.s32 $0x1;
	[bflag:$0x0] =	sbarrier.arrive $0xFFFF  }
0x3e: {  	s31 =	simm.s32 $0x2;
	[sflag:s2] =	ssyncpa.u1 $0x1  }
0x3f: {  	[sflag:s31] =	ssyncpa.u1 $0x1  }
0x40: {  	p0 =	sne.s32 s0, $0x0;
	_ =	strace $0x9000004D  }
0x41: {  	s0 =	sadd.s32 @!p0 $0x100000, s1;
	[bflag:$0x2] =	sbarrier.arrive $0xFFFF  }
0x42: {  	[sflag:s0] =	ssyncadd.tile.s32 @!p0 $0x1;
	_ =	shalt  }
.Lfunc_end1:
_tile_overlayer_lowered:
.L_overlay_start_2:
0x43: {  	(tag) =	ssettag $0x2  }
0x44: {  	s0 =	rddreg [dreg:$0x0];
	s2 =	stileid.u32  }
0x45: {  	s1 =	rddreg [dreg:$0x1];
	p0 =	sne.s32 s2, $0x0  }
0x46: {  	s3 =	rddreg [dreg:$0x2];
	[bflag:$0x3] =	sbarrier.arrive $0xFFFF;
	s2 =	simm.s32 @!p0 $0x1C01  }
0x47: {  	[timem:s3], [sflag:s2] =	dma.local @!p0 [hbm:s0], s1  }
0x48: {  	s0 =	simm.s32 @!p0 $0x1  }
0x49: {  	_ =	swait.ge @!p0 [sflag:s0], s1  }
0x4a: {  	s1 =	ssub.s32 @!p0 $0x0, s1;
	[sflag:s0] =	ssyncset.done @!p0 $0x0  }
0x4b: {  	[sflag:s0] =	ssyncadd.s32 @!p0 s1  }
0x4c: {  	[bflag:$0x3] =	sbarrier.arrive $0xFFFF  }
0x4d: {  	_ =	shalt  }

</sc_bundles>
